<compile_context>
chip_gen: v7x
topology: tpu7x:2x2x1
jax: 0.10.2.dev20260603
libtpu: 0.0.44.dev20260713+nightly
codegen_flags: <defaults>
</compile_context>

<pallas_src>
import functools

import jax
import jax.numpy as jnp
from jax import lax
from jax.experimental import pallas as pl
from jax.experimental.pallas import tpu as pltpu
from jax.experimental.pallas import tpu_sc as plsc

_LP = 56
_BB = 16
_RP = _BB * _LP

_CHUNK = 800
_NCHUNK = 8

_INV2PI = 0.15915493667125702
_S1 = 6.283183465409584
_S3 = -41.34148025958733
_S5 = 81.59765524711814
_S7 = -76.59489967393338
_S9 = 41.26979637356374
_S11 = -12.372272029174612



def _sc_gather(rs_hbm, cs_hbm, uo_hbm, rt_hbm, ct_hbm, ut_hbm,
               r_out, c_out, u_out, idx_v, rows_v, sem):
    wid = lax.axis_index("s") * 2 + lax.axis_index("c")
    for idx_hbm, tab_hbm, out_hbm in ((rs_hbm, rt_hbm, r_out),
                                      (cs_hbm, ct_hbm, c_out),
                                      (uo_hbm, ut_hbm, u_out)):
        def chunk_body(k, carry, idx_hbm=idx_hbm, tab_hbm=tab_hbm,
                       out_hbm=out_hbm):
            base = wid * (_CHUNK * _NCHUNK) + k * _CHUNK
            pltpu.sync_copy(idx_hbm.at[pl.ds(base, _CHUNK)], idx_v)
            pltpu.async_copy(tab_hbm.at[idx_v], rows_v, sem).wait()
            pltpu.sync_copy(rows_v, out_hbm.at[pl.ds(base, _CHUNK)])
            return carry
        lax.fori_loop(0, _NCHUNK, chunk_body, 0)



def _rowmat(lhs, rhs):
    return jax.lax.dot_general(lhs, rhs, (((0,), (0,)), ((), ())),
                               preferred_element_type=jnp.float32)


def _sin2pi(f):
    f2 = f * f
    p = _S9 + f2 * _S11
    p = _S7 + f2 * p
    p = _S5 + f2 * p
    p = _S3 + f2 * p
    return f * (_S1 + f2 * p)


def _hi(x):
    b = jax.lax.bitcast_convert_type(x, jnp.uint32)
    return jax.lax.bitcast_convert_type(b & jnp.uint32(0xFFFF0000),
                                        jnp.float32)


def _tc_body(u3_ref, t5_ref, w13_ref, b1_ref, w2_ref, b2_ref,
             g_ref, be_ref, t2vw5_ref, t2vb_ref,
             uin_out, t2v_out):
    def store(ref, val):
        v = val.reshape(_BB, _LP, 128)
        ref[...] = v[:, :50, :]

    h = _rowmat(u3_ref[0], w13_ref[...]) + b1_ref[...]
    h = h * jax.nn.sigmoid(h)
    hh32 = _hi(h)
    hh = hh32.astype(jnp.bfloat16)
    hl = _hi(h - hh32).astype(jnp.bfloat16)
    zh = jnp.zeros_like(hh)
    hc = jnp.concatenate([hh, hh, hl, zh], axis=1)
    o = jnp.dot(hc, w2_ref[...], preferred_element_type=jnp.float32)
    o = o + b2_ref[...]
    mu = jnp.mean(o, axis=-1, keepdims=True)
    d = o - mu
    var = jnp.mean(d * d, axis=-1, keepdims=True)
    store(uin_out, d * jax.lax.rsqrt(var + 1e-5) * g_ref[...] + be_ref[...])

    z = _rowmat(t5_ref[0], t2vw5_ref[...]) + t2vb_ref[...]
    r = z * _INV2PI
    f = r - jnp.floor(r + 0.5)
    lane = jax.lax.broadcasted_iota(jnp.int32, z.shape, 1)
    store(t2v_out, jnp.where(lane == 0, z, _sin2pi(f)))


def _split2(x):
    h = _hi(x)
    l = x - h
    return h.astype(jnp.bfloat16), _hi(l).astype(jnp.bfloat16)


def _split3(x):
    h = _hi(x)
    r = x - h
    m = _hi(r)
    l = r - m
    return (h.astype(jnp.bfloat16), m.astype(jnp.bfloat16),
            _hi(l).astype(jnp.bfloat16))


def kernel(rs, cs, u_outs, u_ins, time_steps, r_table, c_table, u_out_table,
           W1, b1, W2, b2, ln_g, ln_b, t2v_w0, t2v_b0, t2v_W, t2v_B):
    B, L = rs.shape
    N = B * L
    H = r_table.shape[1]
    nb = B // _BB

    mesh = plsc.VectorSubcoreMesh(core_axis_name="c", subcore_axis_name="s")
    sc_call = pl.kernel(
        _sc_gather, mesh=mesh,
        out_type=[jax.ShapeDtypeStruct((B * L, H), jnp.float32)] * 3,
        scratch_types=[pltpu.VMEM((_CHUNK,), jnp.int32),
                       pltpu.VMEM((_CHUNK, H), jnp.float32),
                       pltpu.SemaphoreType.DMA],
    )
    r_lin, c_lin, uo_lin = sc_call(
        rs.astype(jnp.int32).reshape(N), cs.astype(jnp.int32).reshape(N),
        u_outs.astype(jnp.int32).reshape(N), r_table, c_table, u_out_table)
    r_feat = r_lin.reshape(B, L, H)
    c_feat = c_lin.reshape(B, L, H)
    uo_feat = uo_lin.reshape(B, L, H)

    def rows(x):
        xp = jnp.pad(x.astype(jnp.float32), ((0, 0), (0, _LP - L)))
        return xp.reshape(nb, 1, _RP)

    uh, ul = _split2(rows(u_ins))
    zr = jnp.zeros_like(uh)
    u3 = jnp.concatenate([uh, uh, ul, zr, zr, zr, zr, zr], axis=1)
    w1h, w1l = _split2(W1)
    zw1 = jnp.zeros((5, W1.shape[1]), jnp.bfloat16)
    w13 = jnp.concatenate([w1h, w1l, w1h, zw1], axis=0)

    th, tm, tl = _split3(rows(time_steps))
    t5 = jnp.concatenate([th, th, tm, tm, tl, zr, zr, zr], axis=1)
    t2v_w = jnp.concatenate([t2v_w0, t2v_W], axis=1)
    wh, wl = _split2(t2v_w)
    zw = jnp.zeros((3, t2v_w.shape[1]), jnp.bfloat16)
    t2vw5 = jnp.concatenate([wh, wl, wh, wl, wh, zw], axis=0)
    t2v_b = jnp.concatenate([t2v_b0, t2v_B], axis=0).reshape(1, H)

    w2h, w2l = _split2(W2)
    zw2 = jnp.zeros((64, W2.shape[1]), jnp.bfloat16)
    w2c = jnp.concatenate([w2h, w2l, w2h, zw2], axis=0)

    b1r = b1.reshape(1, -1)
    b2r = b2.reshape(1, H)
    gr = ln_g.reshape(1, H)
    ber = ln_b.reshape(1, H)

    spec = lambda k: pl.BlockSpec((1, k, _RP), lambda i: (i, 0, 0))
    full = lambda a: pl.BlockSpec(a.shape, lambda i: (0,) * a.ndim)
    out_spec = pl.BlockSpec((_BB, L, H), lambda i: (i, 0, 0))

    uin_feat, t2v_feat = pl.pallas_call(
        _tc_body,
        grid=(nb,),
        in_specs=[spec(8), spec(8),
                  full(w13), full(b1r), full(w2c), full(b2r),
                  full(gr), full(ber), full(t2vw5), full(t2v_b)],
        out_specs=[out_spec] * 2,
        out_shape=[jax.ShapeDtypeStruct((B, L, H), jnp.float32)] * 2,
        compiler_params=pltpu.CompilerParams(
            dimension_semantics=("arbitrary",)),
    )(u3, t5, w13, b1r, w2c, b2r, gr, ber, t2vw5, t2v_b)

    return (r_feat, c_feat, uo_feat, uin_feat, t2v_feat)

# --- scband reference (transcript-rebuilt; emitter-appended) ---
"""Pipeline reference for scband-indiviudal-feature-encoder-68934225101063 (READ-ONLY COPY).

The authoritative reference and input builder live on the scoring server;
editing this copy changes nothing except your own understanding.
"""

import jax, jax.numpy as jnp
import numpy as np

B, L, H, HID = 4096, 50, 128, 64  # hidden_size=128, MLP hidden = hidden_size // 2

def setup_inputs(seed: int = 0) -> dict:
    key = jax.random.key(seed)
    ks = jax.random.split(key, 16)
    rs = jax.random.randint(ks[0], (B, L), 0, 3)
    cs = jax.random.randint(ks[1], (B, L), 0, 3)
    u_outs = jax.random.randint(ks[2], (B, L), 0, 2)
    u_ins = jax.random.normal(ks[3], (B, L), dtype=jnp.float32)
    time_steps = jax.random.uniform(ks[4], (B, L), dtype=jnp.float32) * 100.0
    r_table = jax.random.normal(ks[5], (3, H), dtype=jnp.float32)
    c_table = jax.random.normal(ks[6], (3, H), dtype=jnp.float32)
    u_out_table = jax.random.normal(ks[7], (2, H), dtype=jnp.float32)
    W1 = jax.random.normal(ks[8], (1, HID), dtype=jnp.float32) * (1.0 / np.sqrt(1))
    b1 = jnp.zeros((HID,), dtype=jnp.float32)
    W2 = jax.random.normal(ks[9], (HID, H), dtype=jnp.float32) * (1.0 / np.sqrt(HID))
    b2 = jnp.zeros((H,), dtype=jnp.float32)
    ln_g = jnp.ones((H,), dtype=jnp.float32)
    ln_b = jnp.zeros((H,), dtype=jnp.float32)
    t2v_w0 = jax.random.normal(ks[10], (1, 1), dtype=jnp.float32)
    t2v_b0 = jnp.zeros((1,), dtype=jnp.float32)
    t2v_W = jax.random.normal(ks[11], (1, H - 1), dtype=jnp.float32)
    t2v_B = jnp.zeros((H - 1,), dtype=jnp.float32)
    return {"rs": rs, "cs": cs, "u_outs": u_outs, "u_ins": u_ins, "time_steps": time_steps,
            "r_table": r_table, "c_table": c_table, "u_out_table": u_out_table,
            "W1": W1, "b1": b1, "W2": W2, "b2": b2, "ln_g": ln_g, "ln_b": ln_b,
            "t2v_w0": t2v_w0, "t2v_b0": t2v_b0, "t2v_W": t2v_W, "t2v_B": t2v_B}

def _layernorm(x, g, b, eps=1e-5):
    mu = jnp.mean(x, axis=-1, keepdims=True)
    var = jnp.mean((x - mu) ** 2, axis=-1, keepdims=True)
    return (x - mu) / jnp.sqrt(var + eps) * g + b

def reference(rs, cs, u_outs, u_ins, time_steps, r_table, c_table, u_out_table,
              W1, b1, W2, b2, ln_g, ln_b, t2v_w0, t2v_b0, t2v_W, t2v_B):
    # embedding lookups (gather)
    r_feat = jnp.take(r_table, rs.astype(jnp.int32), axis=0)
    c_feat = jnp.take(c_table, cs.astype(jnp.int32), axis=0)
    u_out_feat = jnp.take(u_out_table, u_outs.astype(jnp.int32), axis=0)
    # MlpEncoder(input_size=1, hidden=H//2, out=H, dropout=0, swish, ln)
    u = u_ins[..., None]
    h = jax.nn.swish(u @ W1 + b1)
    o = h @ W2 + b2
    u_in_feat = _layernorm(o, ln_g, ln_b)
    # Time2Vec: first channel linear, remaining sin
    t = time_steps[..., None]
    lin = t @ t2v_w0 + t2v_b0
    per = jnp.sin(t @ t2v_W + t2v_B)
    timestep_feat = jnp.concatenate([lin, per], axis=-1)
    return (r_feat, c_feat, u_out_feat, u_in_feat, timestep_feat)

if __name__ == "__main__":
    import jax
    _d = setup_inputs()
    print(jax.jit(kernel)(*tuple(_d.values())))

</pallas_src>

<mosaic_0001>
#map = affine_map<(d0, d1) -> (0)>
#map1 = affine_map<(d0, d1) -> (0, 0)>
module attributes {stable_mosaic.version = 14 : i64} {
  func.func @_sc_gather(%arg0: i32, %arg1: i32, %arg2: memref<204800xi32, #tpu.memory_space<hbm>>, %arg3: memref<204800xi32, #tpu.memory_space<hbm>>, %arg4: memref<204800xi32, #tpu.memory_space<hbm>>, %arg5: memref<3x128xf32, #tpu.memory_space<hbm>>, %arg6: memref<3x128xf32, #tpu.memory_space<hbm>>, %arg7: memref<2x128xf32, #tpu.memory_space<hbm>>, %arg8: memref<204800x128xf32, #tpu.memory_space<hbm>>, %arg9: memref<204800x128xf32, #tpu.memory_space<hbm>>, %arg10: memref<204800x128xf32, #tpu.memory_space<hbm>>, %arg11: memref<800xi32, #tpu.memory_space<vmem>>, %arg12: memref<800x128xf32, #tpu.memory_space<vmem>>, %arg13: memref<!tpu.dma_semaphore, #tpu.memory_space<semaphore_mem>>) attributes {dimension_semantics = [#tpu.dimension_semantics<core_parallel>, #tpu.dimension_semantics<subcore_parallel>], iteration_bounds = array<i64: 2, 16>, scalar_prefetch = 0 : i64, scratch_operands = 3 : i64, tpu.core_type = #tpu.core_type<sc_vector_subcore>, window_params = [{transform_indices = #map}, {transform_indices = #map}, {transform_indices = #map}, {transform_indices = #map1}, {transform_indices = #map1}, {transform_indices = #map1}, {transform_indices = #map1}, {transform_indices = #map1}, {transform_indices = #map1}]} {
    %mul3A = arith.constant 2 : i32
    %mul3A_0 = arith.muli %arg1, %mul3A : i32
    %add3A = arith.addi %mul3A_0, %arg0 : i32
    %scan3A = arith.constant 0 : i32
    %scan3A_1 = arith.constant 0 : i32
    %scan3A_2 = arith.constant 8 : i32
    %scan3A_3 = arith.addi %scan3A_1, %scan3A_2 : i32
    %scan3A_4 = arith.constant 1 : i32
    scf.for %scan3A_18 = %scan3A_1 to %scan3A_3 step %scan3A_4  : i32 {
      %mul3A_19 = arith.constant 6400 : i32
      %mul3A_20 = arith.muli %add3A, %mul3A_19 : i32
      %mul3A_21 = arith.constant 800 : i32
      %mul3A_22 = arith.muli %scan3A_18, %mul3A_21 : i32
      %add3A_23 = arith.addi %mul3A_20, %mul3A_22 : i32
      "tpu.region"() ({
        %run_scoped3A = tpu.sem_alloc : memref<!tpu.dma_semaphore, #tpu.memory_space<semaphore_mem>>
        %dma_start3A_28 = tpu.memref_slice %arg2[%add3A_23] : memref<204800xi32, #tpu.memory_space<hbm>> -> memref<800xi32, #tpu.memory_space<hbm>>
        %dma_start3A_29 = tpu.memref_slice %arg2[%add3A_23] : memref<204800xi32, #tpu.memory_space<hbm>> -> memref<800xi32, #tpu.memory_space<hbm>>
        tpu.enqueue_dma source(%dma_start3A_29 : memref<800xi32, #tpu.memory_space<hbm>>) target(%arg11 : memref<800xi32, #tpu.memory_space<vmem>>) target_semaphore(%run_scoped3A : memref<!tpu.dma_semaphore, #tpu.memory_space<semaphore_mem>>)
        %dma_wait3A_30 = tpu.memref_slice %arg2[%add3A_23] : memref<204800xi32, #tpu.memory_space<hbm>> -> memref<800xi32, #tpu.memory_space<hbm>>
        %dma_wait3A_31 = tpu.memref_slice %arg2[%add3A_23] : memref<204800xi32, #tpu.memory_space<hbm>> -> memref<800xi32, #tpu.memory_space<hbm>>
        tpu.wait_dma2 semaphore(%run_scoped3A : memref<!tpu.dma_semaphore, #tpu.memory_space<semaphore_mem>>) src(%dma_wait3A_31 : memref<800xi32, #tpu.memory_space<hbm>>) dst(%arg11 : memref<800xi32, #tpu.memory_space<vmem>>)
        tpu.yield
      }) : () -> ()
      %dma_start3A = arith.constant 0 : i32
      %dma_start3A_24 = arith.constant 0 : i32
      %dma_start3A_25 = tpu.memref_slice %arg5[%dma_start3A, %dma_start3A_24] : memref<3x128xf32, #tpu.memory_space<hbm>> -> memref<3x128xf32, #tpu.memory_space<hbm>>
      tpu.enqueue_indirect_dma source(%dma_start3A_25 : memref<3x128xf32, #tpu.memory_space<hbm>>) target(%arg12 : memref<800x128xf32, #tpu.memory_space<vmem>>) offsets(%arg11 : memref<800xi32, #tpu.memory_space<vmem>>) semaphore(%arg13 : memref<!tpu.dma_semaphore, #tpu.memory_space<semaphore_mem>>)
      %dma_wait3A = arith.constant 0 : i32
      %dma_wait3A_26 = arith.constant 0 : i32
      %dma_wait3A_27 = tpu.memref_slice %arg5[%dma_wait3A, %dma_wait3A_26] : memref<3x128xf32, #tpu.memory_space<hbm>> -> memref<3x128xf32, #tpu.memory_space<hbm>>
      tpu.wait_indirect_dma semaphore(%arg13 : memref<!tpu.dma_semaphore, #tpu.memory_space<semaphore_mem>>) src(%dma_wait3A_27 : memref<3x128xf32, #tpu.memory_space<hbm>>) dst(%arg12 : memref<800x128xf32, #tpu.memory_space<vmem>>)
      "tpu.region"() ({
        %run_scoped3A = tpu.sem_alloc : memref<!tpu.dma_semaphore, #tpu.memory_space<semaphore_mem>>
        %dma_start3A_28 = arith.constant 0 : i32
        %dma_start3A_29 = tpu.memref_slice %arg8[%add3A_23, %dma_start3A_28] : memref<204800x128xf32, #tpu.memory_space<hbm>> -> memref<800x128xf32, #tpu.memory_space<hbm>>
        %dma_start3A_30 = arith.constant 0 : i32
        %dma_start3A_31 = tpu.memref_slice %arg8[%add3A_23, %dma_start3A_30] : memref<204800x128xf32, #tpu.memory_space<hbm>> -> memref<800x128xf32, #tpu.memory_space<hbm>>
        tpu.enqueue_dma source(%arg12 : memref<800x128xf32, #tpu.memory_space<vmem>>) target(%dma_start3A_31 : memref<800x128xf32, #tpu.memory_space<hbm>>) target_semaphore(%run_scoped3A : memref<!tpu.dma_semaphore, #tpu.memory_space<semaphore_mem>>)
        %dma_wait3A_32 = arith.constant 0 : i32
        %dma_wait3A_33 = tpu.memref_slice %arg8[%add3A_23, %dma_wait3A_32] : memref<204800x128xf32, #tpu.memory_space<hbm>> -> memref<800x128xf32, #tpu.memory_space<hbm>>
        %dma_wait3A_34 = arith.constant 0 : i32
        %dma_wait3A_35 = tpu.memref_slice %arg8[%add3A_23, %dma_wait3A_34] : memref<204800x128xf32, #tpu.memory_space<hbm>> -> memref<800x128xf32, #tpu.memory_space<hbm>>
        tpu.wait_dma2 semaphore(%run_scoped3A : memref<!tpu.dma_semaphore, #tpu.memory_space<semaphore_mem>>) src(%arg12 : memref<800x128xf32, #tpu.memory_space<vmem>>) dst(%dma_wait3A_35 : memref<800x128xf32, #tpu.memory_space<hbm>>)
        tpu.yield
      }) : () -> ()
    }
    %scan3A_5 = arith.constant 8 : i32
    %scan3A_6 = arith.constant 0 : i32
    %scan3A_7 = arith.constant 0 : i32
    %scan3A_8 = arith.constant 8 : i32
    %scan3A_9 = arith.addi %scan3A_7, %scan3A_8 : i32
    %scan3A_10 = arith.constant 1 : i32
    scf.for %scan3A_18 = %scan3A_7 to %scan3A_9 step %scan3A_10  : i32 {
      %mul3A_19 = arith.constant 6400 : i32
      %mul3A_20 = arith.muli %add3A, %mul3A_19 : i32
      %mul3A_21 = arith.constant 800 : i32
      %mul3A_22 = arith.muli %scan3A_18, %mul3A_21 : i32
      %add3A_23 = arith.addi %mul3A_20, %mul3A_22 : i32
      "tpu.region"() ({
        %run_scoped3A = tpu.sem_alloc : memref<!tpu.dma_semaphore, #tpu.memory_space<semaphore_mem>>
        %dma_start3A_28 = tpu.memref_slice %arg3[%add3A_23] : memref<204800xi32, #tpu.memory_space<hbm>> -> memref<800xi32, #tpu.memory_space<hbm>>
        %dma_start3A_29 = tpu.memref_slice %arg3[%add3A_23] : memref<204800xi32, #tpu.memory_space<hbm>> -> memref<800xi32, #tpu.memory_space<hbm>>
        tpu.enqueue_dma source(%dma_start3A_29 : memref<800xi32, #tpu.memory_space<hbm>>) target(%arg11 : memref<800xi32, #tpu.memory_space<vmem>>) target_semaphore(%run_scoped3A : memref<!tpu.dma_semaphore, #tpu.memory_space<semaphore_mem>>)
        %dma_wait3A_30 = tpu.memref_slice %arg3[%add3A_23] : memref<204800xi32, #tpu.memory_space<hbm>> -> memref<800xi32, #tpu.memory_space<hbm>>
        %dma_wait3A_31 = tpu.memref_slice %arg3[%add3A_23] : memref<204800xi32, #tpu.memory_space<hbm>> -> memref<800xi32, #tpu.memory_space<hbm>>
        tpu.wait_dma2 semaphore(%run_scoped3A : memref<!tpu.dma_semaphore, #tpu.memory_space<semaphore_mem>>) src(%dma_wait3A_31 : memref<800xi32, #tpu.memory_space<hbm>>) dst(%arg11 : memref<800xi32, #tpu.memory_space<vmem>>)
        tpu.yield
      }) : () -> ()
      %dma_start3A = arith.constant 0 : i32
      %dma_start3A_24 = arith.constant 0 : i32
      %dma_start3A_25 = tpu.memref_slice %arg6[%dma_start3A, %dma_start3A_24] : memref<3x128xf32, #tpu.memory_space<hbm>> -> memref<3x128xf32, #tpu.memory_space<hbm>>
      tpu.enqueue_indirect_dma source(%dma_start3A_25 : memref<3x128xf32, #tpu.memory_space<hbm>>) target(%arg12 : memref<800x128xf32, #tpu.memory_space<vmem>>) offsets(%arg11 : memref<800xi32, #tpu.memory_space<vmem>>) semaphore(%arg13 : memref<!tpu.dma_semaphore, #tpu.memory_space<semaphore_mem>>)
      %dma_wait3A = arith.constant 0 : i32
      %dma_wait3A_26 = arith.constant 0 : i32
      %dma_wait3A_27 = tpu.memref_slice %arg6[%dma_wait3A, %dma_wait3A_26] : memref<3x128xf32, #tpu.memory_space<hbm>> -> memref<3x128xf32, #tpu.memory_space<hbm>>
      tpu.wait_indirect_dma semaphore(%arg13 : memref<!tpu.dma_semaphore, #tpu.memory_space<semaphore_mem>>) src(%dma_wait3A_27 : memref<3x128xf32, #tpu.memory_space<hbm>>) dst(%arg12 : memref<800x128xf32, #tpu.memory_space<vmem>>)
      "tpu.region"() ({
        %run_scoped3A = tpu.sem_alloc : memref<!tpu.dma_semaphore, #tpu.memory_space<semaphore_mem>>
        %dma_start3A_28 = arith.constant 0 : i32
        %dma_start3A_29 = tpu.memref_slice %arg9[%add3A_23, %dma_start3A_28] : memref<204800x128xf32, #tpu.memory_space<hbm>> -> memref<800x128xf32, #tpu.memory_space<hbm>>
        %dma_start3A_30 = arith.constant 0 : i32
        %dma_start3A_31 = tpu.memref_slice %arg9[%add3A_23, %dma_start3A_30] : memref<204800x128xf32, #tpu.memory_space<hbm>> -> memref<800x128xf32, #tpu.memory_space<hbm>>
        tpu.enqueue_dma source(%arg12 : memref<800x128xf32, #tpu.memory_space<vmem>>) target(%dma_start3A_31 : memref<800x128xf32, #tpu.memory_space<hbm>>) target_semaphore(%run_scoped3A : memref<!tpu.dma_semaphore, #tpu.memory_space<semaphore_mem>>)
        %dma_wait3A_32 = arith.constant 0 : i32
        %dma_wait3A_33 = tpu.memref_slice %arg9[%add3A_23, %dma_wait3A_32] : memref<204800x128xf32, #tpu.memory_space<hbm>> -> memref<800x128xf32, #tpu.memory_space<hbm>>
        %dma_wait3A_34 = arith.constant 0 : i32
        %dma_wait3A_35 = tpu.memref_slice %arg9[%add3A_23, %dma_wait3A_34] : memref<204800x128xf32, #tpu.memory_space<hbm>> -> memref<800x128xf32, #tpu.memory_space<hbm>>
        tpu.wait_dma2 semaphore(%run_scoped3A : memref<!tpu.dma_semaphore, #tpu.memory_space<semaphore_mem>>) src(%arg12 : memref<800x128xf32, #tpu.memory_space<vmem>>) dst(%dma_wait3A_35 : memref<800x128xf32, #tpu.memory_space<hbm>>)
        tpu.yield
      }) : () -> ()
    }
    %scan3A_11 = arith.constant 8 : i32
    %scan3A_12 = arith.constant 0 : i32
    %scan3A_13 = arith.constant 0 : i32
    %scan3A_14 = arith.constant 8 : i32
    %scan3A_15 = arith.addi %scan3A_13, %scan3A_14 : i32
    %scan3A_16 = arith.constant 1 : i32
    scf.for %scan3A_18 = %scan3A_13 to %scan3A_15 step %scan3A_16  : i32 {
      %mul3A_19 = arith.constant 6400 : i32
      %mul3A_20 = arith.muli %add3A, %mul3A_19 : i32
      %mul3A_21 = arith.constant 800 : i32
      %mul3A_22 = arith.muli %scan3A_18, %mul3A_21 : i32
      %add3A_23 = arith.addi %mul3A_20, %mul3A_22 : i32
      "tpu.region"() ({
        %run_scoped3A = tpu.sem_alloc : memref<!tpu.dma_semaphore, #tpu.memory_space<semaphore_mem>>
        %dma_start3A_28 = tpu.memref_slice %arg4[%add3A_23] : memref<204800xi32, #tpu.memory_space<hbm>> -> memref<800xi32, #tpu.memory_space<hbm>>
        %dma_start3A_29 = tpu.memref_slice %arg4[%add3A_23] : memref<204800xi32, #tpu.memory_space<hbm>> -> memref<800xi32, #tpu.memory_space<hbm>>
        tpu.enqueue_dma source(%dma_start3A_29 : memref<800xi32, #tpu.memory_space<hbm>>) target(%arg11 : memref<800xi32, #tpu.memory_space<vmem>>) target_semaphore(%run_scoped3A : memref<!tpu.dma_semaphore, #tpu.memory_space<semaphore_mem>>)
        %dma_wait3A_30 = tpu.memref_slice %arg4[%add3A_23] : memref<204800xi32, #tpu.memory_space<hbm>> -> memref<800xi32, #tpu.memory_space<hbm>>
        %dma_wait3A_31 = tpu.memref_slice %arg4[%add3A_23] : memref<204800xi32, #tpu.memory_space<hbm>> -> memref<800xi32, #tpu.memory_space<hbm>>
        tpu.wait_dma2 semaphore(%run_scoped3A : memref<!tpu.dma_semaphore, #tpu.memory_space<semaphore_mem>>) src(%dma_wait3A_31 : memref<800xi32, #tpu.memory_space<hbm>>) dst(%arg11 : memref<800xi32, #tpu.memory_space<vmem>>)
        tpu.yield
      }) : () -> ()
      %dma_start3A = arith.constant 0 : i32
      %dma_start3A_24 = arith.constant 0 : i32
      %dma_start3A_25 = tpu.memref_slice %arg7[%dma_start3A, %dma_start3A_24] : memref<2x128xf32, #tpu.memory_space<hbm>> -> memref<2x128xf32, #tpu.memory_space<hbm>>
      tpu.enqueue_indirect_dma source(%dma_start3A_25 : memref<2x128xf32, #tpu.memory_space<hbm>>) target(%arg12 : memref<800x128xf32, #tpu.memory_space<vmem>>) offsets(%arg11 : memref<800xi32, #tpu.memory_space<vmem>>) semaphore(%arg13 : memref<!tpu.dma_semaphore, #tpu.memory_space<semaphore_mem>>)
      %dma_wait3A = arith.constant 0 : i32
      %dma_wait3A_26 = arith.constant 0 : i32
      %dma_wait3A_27 = tpu.memref_slice %arg7[%dma_wait3A, %dma_wait3A_26] : memref<2x128xf32, #tpu.memory_space<hbm>> -> memref<2x128xf32, #tpu.memory_space<hbm>>
      tpu.wait_indirect_dma semaphore(%arg13 : memref<!tpu.dma_semaphore, #tpu.memory_space<semaphore_mem>>) src(%dma_wait3A_27 : memref<2x128xf32, #tpu.memory_space<hbm>>) dst(%arg12 : memref<800x128xf32, #tpu.memory_space<vmem>>)
      "tpu.region"() ({
        %run_scoped3A = tpu.sem_alloc : memref<!tpu.dma_semaphore, #tpu.memory_space<semaphore_mem>>
        %dma_start3A_28 = arith.constant 0 : i32
        %dma_start3A_29 = tpu.memref_slice %arg10[%add3A_23, %dma_start3A_28] : memref<204800x128xf32, #tpu.memory_space<hbm>> -> memref<800x128xf32, #tpu.memory_space<hbm>>
        %dma_start3A_30 = arith.constant 0 : i32
        %dma_start3A_31 = tpu.memref_slice %arg10[%add3A_23, %dma_start3A_30] : memref<204800x128xf32, #tpu.memory_space<hbm>> -> memref<800x128xf32, #tpu.memory_space<hbm>>
        tpu.enqueue_dma source(%arg12 : memref<800x128xf32, #tpu.memory_space<vmem>>) target(%dma_start3A_31 : memref<800x128xf32, #tpu.memory_space<hbm>>) target_semaphore(%run_scoped3A : memref<!tpu.dma_semaphore, #tpu.memory_space<semaphore_mem>>)
        %dma_wait3A_32 = arith.constant 0 : i32
        %dma_wait3A_33 = tpu.memref_slice %arg10[%add3A_23, %dma_wait3A_32] : memref<204800x128xf32, #tpu.memory_space<hbm>> -> memref<800x128xf32, #tpu.memory_space<hbm>>
        %dma_wait3A_34 = arith.constant 0 : i32
        %dma_wait3A_35 = tpu.memref_slice %arg10[%add3A_23, %dma_wait3A_34] : memref<204800x128xf32, #tpu.memory_space<hbm>> -> memref<800x128xf32, #tpu.memory_space<hbm>>
        tpu.wait_dma2 semaphore(%run_scoped3A : memref<!tpu.dma_semaphore, #tpu.memory_space<semaphore_mem>>) src(%arg12 : memref<800x128xf32, #tpu.memory_space<vmem>>) dst(%dma_wait3A_35 : memref<800x128xf32, #tpu.memory_space<hbm>>)
        tpu.yield
      }) : () -> ()
    }
    %scan3A_17 = arith.constant 8 : i32
    return
  }
}

module attributes {stable_mosaic.version = 14 : i64} {
  func.func @_tc_body(%arg0: i32, %arg1: memref<1x8x896xbf16, #tpu.memory_space<vmem>>, %arg2: memref<1x8x896xbf16, #tpu.memory_space<vmem>>, %arg3: memref<8x64xbf16, #tpu.memory_space<vmem>>, %arg4: memref<1x64xf32, #tpu.memory_space<vmem>>, %arg5: memref<256x128xbf16, #tpu.memory_space<vmem>>, %arg6: memref<1x128xf32, #tpu.memory_space<vmem>>, %arg7: memref<1x128xf32, #tpu.memory_space<vmem>>, %arg8: memref<1x128xf32, #tpu.memory_space<vmem>>, %arg9: memref<8x128xbf16, #tpu.memory_space<vmem>>, %arg10: memref<1x128xf32, #tpu.memory_space<vmem>>, %arg11: memref<16x50x128xf32, #tpu.memory_space<vmem>>, %arg12: memref<16x50x128xf32, #tpu.memory_space<vmem>>) attributes {dimension_semantics = [#tpu.dimension_semantics<arbitrary>], iteration_bounds = array<i64: 256>, scalar_prefetch = 0 : i64, scratch_operands = 0 : i64, tpu.core_type = #tpu.core_type<tc>, window_params = [{transform_indices = @transform_0, window_bounds = array<i64: 1, 8, 896>}, {transform_indices = @transform_1, window_bounds = array<i64: 1, 8, 896>}, {pipeline_mode = #tpu.pipeline_mode<synchronous>, transform_indices = @transform_2, window_bounds = array<i64: 8, 64>}, {pipeline_mode = #tpu.pipeline_mode<synchronous>, transform_indices = @transform_3, window_bounds = array<i64: 1, 64>}, {pipeline_mode = #tpu.pipeline_mode<synchronous>, transform_indices = @transform_4, window_bounds = array<i64: 256, 128>}, {pipeline_mode = #tpu.pipeline_mode<synchronous>, transform_indices = @transform_5, window_bounds = array<i64: 1, 128>}, {pipeline_mode = #tpu.pipeline_mode<synchronous>, transform_indices = @transform_6, window_bounds = array<i64: 1, 128>}, {pipeline_mode = #tpu.pipeline_mode<synchronous>, transform_indices = @transform_7, window_bounds = array<i64: 1, 128>}, {pipeline_mode = #tpu.pipeline_mode<synchronous>, transform_indices = @transform_8, window_bounds = array<i64: 8, 128>}, {pipeline_mode = #tpu.pipeline_mode<synchronous>, transform_indices = @transform_9, window_bounds = array<i64: 1, 128>}, {transform_indices = @transform_10, window_bounds = array<i64: 16, 50, 128>}, {transform_indices = @transform_11, window_bounds = array<i64: 16, 50, 128>}]} {
    %get3A = arith.constant 0 : index
    %get3A_0 = arith.constant 0 : index
    %get3A_1 = arith.constant 0 : index
    %get3A_2 = vector.load %arg1[%get3A, %get3A_0, %get3A_1] : memref<1x8x896xbf16, #tpu.memory_space<vmem>>, vector<1x8x896xbf16>
    %get3A_3 = vector.shape_cast %get3A_2 : vector<1x8x896xbf16> to vector<8x896xbf16>
    %get3A_4 = arith.constant 0 : index
    %get3A_5 = arith.constant 0 : index
    %get3A_6 = vector.load %arg3[%get3A_4, %get3A_5] : memref<8x64xbf16, #tpu.memory_space<vmem>>, vector<8x64xbf16>
    %dot_general3A = arith.constant dense<0.000000e+00> : vector<896x64xf32>
    %dot_general3A_7 = tpu.matmul %get3A_3, %get3A_6, %dot_general3A {dimension_numbers = #tpu.dot_dimension_numbers<[0], [0], [1], [1], [0, 1, 1, 1], [], []>, transpose_lhs_hint = false} : vector<8x896xbf16>, vector<8x64xbf16>, vector<896x64xf32> -> vector<896x64xf32>
    %get3A_8 = arith.constant 0 : index
    %get3A_9 = arith.constant 0 : index
    %get3A_10 = vector.load %arg4[%get3A_8, %get3A_9] : memref<1x64xf32, #tpu.memory_space<vmem>>, vector<1x64xf32>
    %add3A = vector.broadcast %get3A_10 : vector<1x64xf32> to vector<896x64xf32>
    %add3A_11 = arith.addf %dot_general3A_7, %add3A : vector<896x64xf32>
    %logistic3A = arith.negf %add3A_11 : vector<896x64xf32>
    %logistic3A_12 = math.exp %logistic3A : vector<896x64xf32>
    %logistic3A_13 = arith.constant 1.000000e+00 : f32
    %logistic3A_14 = vector.broadcast %logistic3A_13 : f32 to vector<896x64xf32>
    %logistic3A_15 = arith.addf %logistic3A_14, %logistic3A_12 : vector<896x64xf32>
    %logistic3A_16 = arith.divf %logistic3A_14, %logistic3A_15 : vector<896x64xf32>
    %mul3A = arith.mulf %add3A_11, %logistic3A_16 : vector<896x64xf32>
    %bitcast_convert_type3A = tpu.bitcast %mul3A : vector<896x64xf32> -> vector<896x64xi32>
    %and3A = arith.constant -65536 : i32
    %and3A_17 = vector.broadcast %and3A : i32 to vector<896x64xi32>
    %and3A_18 = arith.andi %bitcast_convert_type3A, %and3A_17 : vector<896x64xi32>
    %bitcast_convert_type3A_19 = tpu.bitcast %and3A_18 : vector<896x64xi32> -> vector<896x64xf32>
    %convert_element_type3A = arith.truncf %bitcast_convert_type3A_19 : vector<896x64xf32> to vector<896x64xbf16>
    %sub3A = arith.subf %mul3A, %bitcast_convert_type3A_19 : vector<896x64xf32>
    %bitcast_convert_type3A_20 = tpu.bitcast %sub3A : vector<896x64xf32> -> vector<896x64xi32>
    %and3A_21 = arith.constant -65536 : i32
    %and3A_22 = vector.broadcast %and3A_21 : i32 to vector<896x64xi32>
    %and3A_23 = arith.andi %bitcast_convert_type3A_20, %and3A_22 : vector<896x64xi32>
    %bitcast_convert_type3A_24 = tpu.bitcast %and3A_23 : vector<896x64xi32> -> vector<896x64xf32>
    %convert_element_type3A_25 = arith.truncf %bitcast_convert_type3A_24 : vector<896x64xf32> to vector<896x64xbf16>
    %broadcast_in_dim3A = arith.constant 0.000000e+00 : bf16
    %broadcast_in_dim3A_26 = vector.broadcast %broadcast_in_dim3A : bf16 to vector<896x64xbf16>
    %concatenate3A = tpu.concatenate %convert_element_type3A, %convert_element_type3A, %convert_element_type3A_25, %broadcast_in_dim3A_26 in 1 : vector<896x64xbf16>, vector<896x64xbf16>, vector<896x64xbf16>, vector<896x64xbf16> -> vector<896x256xbf16>
    %get3A_27 = arith.constant 0 : index
    %get3A_28 = arith.constant 0 : index
    %get3A_29 = vector.load %arg5[%get3A_27, %get3A_28] : memref<256x128xbf16, #tpu.memory_space<vmem>>, vector<256x128xbf16>
    %dot_general3A_30 = arith.constant dense<0.000000e+00> : vector<896x128xf32>
    %dot_general3A_31 = tpu.matmul %concatenate3A, %get3A_29, %dot_general3A_30 {dimension_numbers = #tpu.dot_dimension_numbers<[1], [0], [0], [1], [0, 0, 1, 1], [], []>, transpose_lhs_hint = false} : vector<896x256xbf16>, vector<256x128xbf16>, vector<896x128xf32> -> vector<896x128xf32>
    %get3A_32 = arith.constant 0 : index
    %get3A_33 = arith.constant 0 : index
    %get3A_34 = vector.load %arg6[%get3A_32, %get3A_33] : memref<1x128xf32, #tpu.memory_space<vmem>>, vector<1x128xf32>
    %add3A_35 = vector.broadcast %get3A_34 : vector<1x128xf32> to vector<896x128xf32>
    %add3A_36 = arith.addf %dot_general3A_31, %add3A_35 : vector<896x128xf32>
    %reduce_sum3A = arith.constant dense<0.000000e+00> : vector<896xf32>
    %reduce_sum3A_37 = vector.multi_reduction <add>, %add3A_36, %reduce_sum3A [1] : vector<896x128xf32> to vector<896xf32>
    %broadcast_in_dim3A_38 = vector.shape_cast %reduce_sum3A_37 : vector<896xf32> to vector<896x1xf32>
    %div3A = arith.constant 1.280000e+02 : f32
    %div3A_39 = vector.broadcast %div3A : f32 to vector<896x1xf32>
    %div3A_40 = arith.divf %broadcast_in_dim3A_38, %div3A_39 : vector<896x1xf32>
    %sub3A_41 = vector.broadcast %div3A_40 : vector<896x1xf32> to vector<896x128xf32>
    %sub3A_42 = arith.subf %add3A_36, %sub3A_41 : vector<896x128xf32>
    %mul3A_43 = arith.mulf %sub3A_42, %sub3A_42 : vector<896x128xf32>
    %reduce_sum3A_44 = arith.constant dense<0.000000e+00> : vector<896xf32>
    %reduce_sum3A_45 = vector.multi_reduction <add>, %mul3A_43, %reduce_sum3A_44 [1] : vector<896x128xf32> to vector<896xf32>
    %broadcast_in_dim3A_46 = vector.shape_cast %reduce_sum3A_45 : vector<896xf32> to vector<896x1xf32>
    %div3A_47 = arith.constant 1.280000e+02 : f32
    %div3A_48 = vector.broadcast %div3A_47 : f32 to vector<896x1xf32>
    %div3A_49 = arith.divf %broadcast_in_dim3A_46, %div3A_48 : vector<896x1xf32>
    %add3A_50 = arith.constant 9.99999974E-6 : f32
    %add3A_51 = vector.broadcast %add3A_50 : f32 to vector<896x1xf32>
    %add3A_52 = arith.addf %div3A_49, %add3A_51 : vector<896x1xf32>
    %rsqrt3A = math.rsqrt %add3A_52 : vector<896x1xf32>
    %mul3A_53 = vector.broadcast %rsqrt3A : vector<896x1xf32> to vector<896x128xf32>
    %mul3A_54 = arith.mulf %sub3A_42, %mul3A_53 : vector<896x128xf32>
    %get3A_55 = arith.constant 0 : index
    %get3A_56 = arith.constant 0 : index
    %get3A_57 = vector.load %arg7[%get3A_55, %get3A_56] : memref<1x128xf32, #tpu.memory_space<vmem>>, vector<1x128xf32>
    %mul3A_58 = vector.broadcast %get3A_57 : vector<1x128xf32> to vector<896x128xf32>
    %mul3A_59 = arith.mulf %mul3A_54, %mul3A_58 : vector<896x128xf32>
    %get3A_60 = arith.constant 0 : index
    %get3A_61 = arith.constant 0 : index
    %get3A_62 = vector.load %arg8[%get3A_60, %get3A_61] : memref<1x128xf32, #tpu.memory_space<vmem>>, vector<1x128xf32>
    %add3A_63 = vector.broadcast %get3A_62 : vector<1x128xf32> to vector<896x128xf32>
    %add3A_64 = arith.addf %mul3A_59, %add3A_63 : vector<896x128xf32>
    %reshape3A = vector.shape_cast %add3A_64 : vector<896x128xf32> to vector<16x56x128xf32>
    %slice3A = vector.extract_strided_slice %reshape3A {offsets = [0, 0, 0], sizes = [16, 50, 128], strides = [1, 1, 1]} : vector<16x56x128xf32> to vector<16x50x128xf32>
    %swap3A = arith.constant 0 : index
    %swap3A_65 = arith.constant 0 : index
    %swap3A_66 = arith.constant 0 : index
    %swap3A_67 = vector.load %arg11[%swap3A, %swap3A_65, %swap3A_66] : memref<16x50x128xf32, #tpu.memory_space<vmem>>, vector<16x50x128xf32>
    tpu.vector_store %arg11[%swap3A, %swap3A_65, %swap3A_66], %slice3A {strides = array<i32>} : memref<16x50x128xf32, #tpu.memory_space<vmem>>, vector<16x50x128xf32>,
    %get3A_68 = arith.constant 0 : index
    %get3A_69 = arith.constant 0 : index
    %get3A_70 = arith.constant 0 : index
    %get3A_71 = vector.load %arg2[%get3A_68, %get3A_69, %get3A_70] : memref<1x8x896xbf16, #tpu.memory_space<vmem>>, vector<1x8x896xbf16>
    %get3A_72 = vector.shape_cast %get3A_71 : vector<1x8x896xbf16> to vector<8x896xbf16>
    %get3A_73 = arith.constant 0 : index
    %get3A_74 = arith.constant 0 : index
    %get3A_75 = vector.load %arg9[%get3A_73, %get3A_74] : memref<8x128xbf16, #tpu.memory_space<vmem>>, vector<8x128xbf16>
    %dot_general3A_76 = arith.constant dense<0.000000e+00> : vector<896x128xf32>
    %dot_general3A_77 = tpu.matmul %get3A_72, %get3A_75, %dot_general3A_76 {dimension_numbers = #tpu.dot_dimension_numbers<[0], [0], [1], [1], [0, 1, 1, 1], [], []>, transpose_lhs_hint = false} : vector<8x896xbf16>, vector<8x128xbf16>, vector<896x128xf32> -> vector<896x128xf32>
    %get3A_78 = arith.constant 0 : index
    %get3A_79 = arith.constant 0 : index
    %get3A_80 = vector.load %arg10[%get3A_78, %get3A_79] : memref<1x128xf32, #tpu.memory_space<vmem>>, vector<1x128xf32>
    %add3A_81 = vector.broadcast %get3A_80 : vector<1x128xf32> to vector<896x128xf32>
    %add3A_82 = arith.addf %dot_general3A_77, %add3A_81 : vector<896x128xf32>
    %mul3A_83 = arith.constant 0.159154937 : f32
    %mul3A_84 = vector.broadcast %mul3A_83 : f32 to vector<896x128xf32>
    %mul3A_85 = arith.mulf %add3A_82, %mul3A_84 : vector<896x128xf32>
    %add3A_86 = arith.constant 5.000000e-01 : f32
    %add3A_87 = vector.broadcast %add3A_86 : f32 to vector<896x128xf32>
    %add3A_88 = arith.addf %mul3A_85, %add3A_87 : vector<896x128xf32>
    %floor3A = math.floor %add3A_88 : vector<896x128xf32>
    %sub3A_89 = arith.subf %mul3A_85, %floor3A : vector<896x128xf32>
    %iota3A = tpu.iota {dimensions = array<i32: 1>} : vector<896x128xi32>
    %eq3A = arith.constant 0 : i32
    %eq3A_90 = vector.broadcast %eq3A : i32 to vector<896x128xi32>
    %eq3A_91 = arith.cmpi eq, %iota3A, %eq3A_90 : vector<896x128xi32>
    %mul3A_92 = arith.mulf %sub3A_89, %sub3A_89 : vector<896x128xf32>
    %mul3A_93 = arith.constant -12.3722725 : f32
    %mul3A_94 = vector.broadcast %mul3A_93 : f32 to vector<896x128xf32>
    %mul3A_95 = arith.mulf %mul3A_92, %mul3A_94 : vector<896x128xf32>
    %add3A_96 = arith.constant 4.126980e+01 : f32
    %add3A_97 = vector.broadcast %add3A_96 : f32 to vector<896x128xf32>
    %add3A_98 = arith.addf %add3A_97, %mul3A_95 : vector<896x128xf32>
    %mul3A_99 = arith.mulf %mul3A_92, %add3A_98 : vector<896x128xf32>
    %add3A_100 = arith.constant -7.659490e+01 : f32
    %add3A_101 = vector.broadcast %add3A_100 : f32 to vector<896x128xf32>
    %add3A_102 = arith.addf %add3A_101, %mul3A_99 : vector<896x128xf32>
    %mul3A_103 = arith.mulf %mul3A_92, %add3A_102 : vector<896x128xf32>
    %add3A_104 = arith.constant 81.5976563 : f32
    %add3A_105 = vector.broadcast %add3A_104 : f32 to vector<896x128xf32>
    %add3A_106 = arith.addf %add3A_105, %mul3A_103 : vector<896x128xf32>
    %mul3A_107 = arith.mulf %mul3A_92, %add3A_106 : vector<896x128xf32>
    %add3A_108 = arith.constant -41.3414803 : f32
    %add3A_109 = vector.broadcast %add3A_108 : f32 to vector<896x128xf32>
    %add3A_110 = arith.addf %add3A_109, %mul3A_107 : vector<896x128xf32>
    %mul3A_111 = arith.mulf %mul3A_92, %add3A_110 : vector<896x128xf32>
    %add3A_112 = arith.constant 6.28318357 : f32
    %add3A_113 = vector.broadcast %add3A_112 : f32 to vector<896x128xf32>
    %add3A_114 = arith.addf %add3A_113, %mul3A_111 : vector<896x128xf32>
    %mul3A_115 = arith.mulf %sub3A_89, %add3A_114 : vector<896x128xf32>
    %select_n3A = arith.select %eq3A_91, %add3A_82, %mul3A_115 : vector<896x128xi1>, vector<896x128xf32>
    %reshape3A_116 = vector.shape_cast %select_n3A : vector<896x128xf32> to vector<16x56x128xf32>
    %slice3A_117 = vector.extract_strided_slice %reshape3A_116 {offsets = [0, 0, 0], sizes = [16, 50, 128], strides = [1, 1, 1]} : vector<16x56x128xf32> to vector<16x50x128xf32>
    %swap3A_118 = arith.constant 0 : index
    %swap3A_119 = arith.constant 0 : index
    %swap3A_120 = arith.constant 0 : index
    %swap3A_121 = vector.load %arg12[%swap3A_118, %swap3A_119, %swap3A_120] : memref<16x50x128xf32, #tpu.memory_space<vmem>>, vector<16x50x128xf32>
    tpu.vector_store %arg12[%swap3A_118, %swap3A_119, %swap3A_120], %slice3A_117 {strides = array<i32>} : memref<16x50x128xf32, #tpu.memory_space<vmem>>, vector<16x50x128xf32>,
    return
  }
  func.func @transform_0(%arg0: i32) -> (i32, i32, i32) {
    %c0_i32 = arith.constant 0 : i32
    %c0_i32_0 = arith.constant 0 : i32
    %c0_i32_1 = arith.constant 0 : i32
    return %arg0, %c0_i32, %c0_i32_0 : i32, i32, i32
  }
  func.func @transform_1(%arg0: i32) -> (i32, i32, i32) {
    %c0_i32 = arith.constant 0 : i32
    %c0_i32_0 = arith.constant 0 : i32
    %c0_i32_1 = arith.constant 0 : i32
    return %arg0, %c0_i32, %c0_i32_0 : i32, i32, i32
  }
  func.func @transform_2(%arg0: i32) -> (i32, i32) {
    %c0_i32 = arith.constant 0 : i32
    %c0_i32_0 = arith.constant 0 : i32
    %c0_i32_1 = arith.constant 0 : i32
    return %c0_i32, %c0_i32_0 : i32, i32
  }
  func.func @transform_3(%arg0: i32) -> (i32, i32) {
    %c0_i32 = arith.constant 0 : i32
    %c0_i32_0 = arith.constant 0 : i32
    %c0_i32_1 = arith.constant 0 : i32
    return %c0_i32, %c0_i32_0 : i32, i32
  }
  func.func @transform_4(%arg0: i32) -> (i32, i32) {
    %c0_i32 = arith.constant 0 : i32
    %c0_i32_0 = arith.constant 0 : i32
    %c0_i32_1 = arith.constant 0 : i32
    return %c0_i32, %c0_i32_0 : i32, i32
  }
  func.func @transform_5(%arg0: i32) -> (i32, i32) {
    %c0_i32 = arith.constant 0 : i32
    %c0_i32_0 = arith.constant 0 : i32
    %c0_i32_1 = arith.constant 0 : i32
    return %c0_i32, %c0_i32_0 : i32, i32
  }
  func.func @transform_6(%arg0: i32) -> (i32, i32) {
    %c0_i32 = arith.constant 0 : i32
    %c0_i32_0 = arith.constant 0 : i32
    %c0_i32_1 = arith.constant 0 : i32
    return %c0_i32, %c0_i32_0 : i32, i32
  }
  func.func @transform_7(%arg0: i32) -> (i32, i32) {
    %c0_i32 = arith.constant 0 : i32
    %c0_i32_0 = arith.constant 0 : i32
    %c0_i32_1 = arith.constant 0 : i32
    return %c0_i32, %c0_i32_0 : i32, i32
  }
  func.func @transform_8(%arg0: i32) -> (i32, i32) {
    %c0_i32 = arith.constant 0 : i32
    %c0_i32_0 = arith.constant 0 : i32
    %c0_i32_1 = arith.constant 0 : i32
    return %c0_i32, %c0_i32_0 : i32, i32
  }
  func.func @transform_9(%arg0: i32) -> (i32, i32) {
    %c0_i32 = arith.constant 0 : i32
    %c0_i32_0 = arith.constant 0 : i32
    %c0_i32_1 = arith.constant 0 : i32
    return %c0_i32, %c0_i32_0 : i32, i32
  }
  func.func @transform_10(%arg0: i32) -> (i32, i32, i32) {
    %c0_i32 = arith.constant 0 : i32
    %c0_i32_0 = arith.constant 0 : i32
    %c0_i32_1 = arith.constant 0 : i32
    return %arg0, %c0_i32, %c0_i32_0 : i32, i32, i32
  }
  func.func @transform_11(%arg0: i32) -> (i32, i32, i32) {
    %c0_i32 = arith.constant 0 : i32
    %c0_i32_0 = arith.constant 0 : i32
    %c0_i32_1 = arith.constant 0 : i32
    return %arg0, %c0_i32, %c0_i32_0 : i32, i32, i32
  }
}

</mosaic_0001>

<sc_bundles>
// kernel: kernel.4.cloned.1.call-start
scs
__scs_entry_jumppad:
0x0: {  	(pc) =	sbr.rel $0x88, $3  }
0x1: {  	(tag) =	ssettag $0x0;
	lr =	simm.s32 $0x1  }
0x2: {  	[smem:$0x3F8F] =	sst lr;
	_ =	strace $0xD0000000  }
0x3: {  	_ = 	snop  }
0x4: {  	_ = 	snop  }
0x5: {  	_ = 	snop  }
0x6: {  	_ = 	snop  }
0x7: {  	_ = 	snop  }
__scs_overlays_trampoline_lowered:
0x8: {  	[smem:$0x3F9E] =	sst s0  }
0x9: {  	[smem:$0x3F9F] =	sst s1  }
0xa: {  	[smem:$0x3FA0] =	sst s2  }
0xb: {  	[smem:$0x3FA1] =	sst s3  }
0xc: {  	[smem:$0x3FA2] =	sst s4  }
0xd: {  	[smem:$0x3FA3] =	sst s5  }
0xe: {  	[smem:$0x3FA4] =	sst s6  }
0xf: {  	[smem:$0x3FA5] =	sst s7  }
0x10: {  	[smem:$0x3FA6] =	sst s8  }
0x11: {  	[smem:$0x3FA7] =	sst s9;
	s0 =	simm.s32 @!p0 $0x0  }
0x12: {  	s1 =	sld [smem:$0x3F8D];
	s0 =	simm.s32 @p0 $0x1  }
0x13: {  	[smem:$0x3FA8] =	sst s0;
	s0 =	simm.s32 @!p1 $0x0  }
0x14: {  	s2 =	sld [smem:$0x3F8C];
	s0 =	simm.s32 @p1 $0x1  }
0x15: {  	[smem:$0x3FA9] =	sst s0;
	s0 =	simm.s32 @!p2 $0x0  }
0x16: {  	s3 =	sld [smem:$0x3FDB];
	s0 =	simm.s32 @p2 $0x1  }
0x17: {  	s4 =	simm.s32 $0x1BF5;
	[smem:$0x3FAB] =	sst s0  }
0x18: {  	s0 =	sld [smem:$0x3F8E];
	_ =	swait.ge [sflag:s4], $0x0  }
0x19: {  	s7 =	sld [smem:$0x3F8F]  }
0x1a: {  	s8 =	sadd.s32 $0xFFFFE003, lr  }
0x1b: {  	s9 =	sadd.s32 $0xFFFFFEF7, lr;
	s5 =	simm.s32 $0xFFFFFFFF;
	p2 =	slt.u32 s8, $0xFFFFF086  }
0x1c: {  	p1 =	slt.u32 s9, $0xF7A;
	s5 =	simm.s32 @!p2 $0x0  }
0x1d: {  	s5 =	simm.s32 @p1 $0x1;
	p0 =	seq.s32 s7, s2  }
0x1e: {  	s7 =	smul.u32 @!p0 $0xF7A, s2;
	p2 =	seq.s32 @!p0 s5, $0x0  }
0x1f: {  	s9 =	smul.u32 $0xF7A, s1;
	s8 =	simm.s32 @!p0 $0x1BF5;
	p2 =	por !p2, p0  }
0x20: {  	[sflag:s8] =	ssyncset.s32 @!p0 $0xFFFFF086;
	s6 =	sadd.s32 @!p0 s3, s7;
	s7 =	simm.s32 @!p0 $0x108  }
0x21: {  	s3 =	sadd.s32 s3, s9;
	s6 =	sadd.s32 @!p0 $0x88, s6;
	s7 =	simm.s32 @p2 $0x1082  }
0x22: {  	[simem:s7], [sflag:s8] =	dma.local @!p0 [hbm:s6], $0xF7A  }
0x23: {  	s9 =	sor.u32 $0xD0000000, s2;
	s6 =	simm.s32 $0x108;
	_ =	swait.ge @!p0 [sflag:s8], $0x0  }
0x24: {  	s3 =	sadd.s32 $0x88, s3;
	s6 =	simm.s32 @!p1 $0x1082;
	[sflag:s4] =	ssyncset.s32 $0xFFFFF086  }
0x25: {  	[simem:s6], [sflag:s4] =	dma.local [hbm:s3], $0xF7A  }
0x26: {  	[smem:$0x3F8F] =	sst s1;
	(tag) =	ssettag s2;
	_ =	strace s9  }
0x27: {  	s1 =	sld [smem:$0x3F9F]  }
0x28: {  	s2 =	sld [smem:$0x3FA0]  }
0x29: {  	s4 =	sld [smem:$0x3FA2]  }
0x2a: {  	p0 =	seq.s32 s5, $0x0;
	s5 =	sld [smem:$0x3FA3]  }
0x2b: {  	s6 =	sld [smem:$0x3FA4]  }
0x2c: {  	s7 =	sld [smem:$0x3FA5]  }
0x2d: {  	s3 =	simm.s32 $0x108;
	s8 =	sld [smem:$0x3FA6]  }
0x2e: {  	s3 =	simm.s32 @!p0 $0x1082;
	s9 =	sld [smem:$0x3FA7]  }
0x2f: {  	lr =	sadd.s32 s0, s3;
	s0 =	sld [smem:$0x3F9E]  }
0x30: {  	s3 =	sld [smem:$0x3FA1]  }
0x31: {  	[smem:$0x3FAA] =	sst s10  }
0x32: {  	s10 =	sld [smem:$0x3FA8];
	_ =	sdelay $0x3  }
0x33: {  	p0 =	seq.s32 s10, $0x1;
	s10 =	sld [smem:$0x3FAA];
	_ =	sdelay $0x3  }
0x34: {  	[smem:$0x3FAA] =	sst s10  }
0x35: {  	s10 =	sld [smem:$0x3FA9];
	_ =	sdelay $0x3  }
0x36: {  	p1 =	seq.s32 s10, $0x1;
	s10 =	sld [smem:$0x3FAA];
	_ =	sdelay $0x3  }
0x37: {  	[smem:$0x3FAA] =	sst s10  }
0x38: {  	s10 =	sld [smem:$0x3FAB]  }
0x39: {  	_ = 	snop;
	(pc) =	sbr.ind lr, $3  }
0x3a: {  	_ = 	snop  }
0x3b: {  	_ = 	snop  }
0x3c: {  	p2 =	seq.s32 s10, $0x1;
	s10 =	sld [smem:$0x3FAA]  }
0x3d: {  	_ =	shalt  }
0x3e: {  	_ =	shalt  }
0x3f: {  	_ =	shalt  }
0x40: {  	_ =	shalt  }
0x41: {  	_ =	shalt  }
0x42: {  	_ =	shalt  }
0x43: {  	_ =	shalt  }
0x44: {  	_ =	shalt  }
0x45: {  	_ =	shalt  }
0x46: {  	_ =	shalt  }
0x47: {  	_ =	shalt  }
0x48: {  	_ =	shalt  }
0x49: {  	_ =	shalt  }
0x4a: {  	_ =	shalt  }
0x4b: {  	_ =	shalt  }
0x4c: {  	_ =	shalt  }
0x4d: {  	_ =	shalt  }
0x4e: {  	_ =	shalt  }
0x4f: {  	_ =	shalt  }
0x50: {  	_ =	shalt  }
0x51: {  	_ =	shalt  }
0x52: {  	_ =	shalt  }
0x53: {  	_ =	shalt  }
0x54: {  	_ =	shalt  }
0x55: {  	_ =	shalt  }
0x56: {  	_ =	shalt  }
0x57: {  	_ =	shalt  }
0x58: {  	_ =	shalt  }
0x59: {  	_ =	shalt  }
0x5a: {  	_ =	shalt  }
0x5b: {  	_ =	shalt  }
0x5c: {  	_ =	shalt  }
0x5d: {  	_ =	shalt  }
0x5e: {  	_ =	shalt  }
0x5f: {  	_ =	shalt  }
0x60: {  	_ =	shalt  }
0x61: {  	_ =	shalt  }
0x62: {  	_ =	shalt  }
0x63: {  	_ =	shalt  }
0x64: {  	_ =	shalt  }
0x65: {  	_ =	shalt  }
0x66: {  	_ =	shalt  }
0x67: {  	_ =	shalt  }
0x68: {  	_ =	shalt  }
0x69: {  	_ =	shalt  }
0x6a: {  	_ =	shalt  }
0x6b: {  	_ =	shalt  }
0x6c: {  	_ =	shalt  }
0x6d: {  	_ =	shalt  }
0x6e: {  	_ =	shalt  }
0x6f: {  	_ =	shalt  }
0x70: {  	_ =	shalt  }
0x71: {  	_ =	shalt  }
0x72: {  	_ =	shalt  }
0x73: {  	_ =	shalt  }
0x74: {  	_ =	shalt  }
0x75: {  	_ =	shalt  }
0x76: {  	_ =	shalt  }
0x77: {  	_ =	shalt  }
0x78: {  	_ =	shalt  }
0x79: {  	_ =	shalt  }
0x7a: {  	_ =	shalt  }
0x7b: {  	_ =	shalt  }
0x7c: {  	_ =	shalt  }
0x7d: {  	_ =	shalt  }
0x7e: {  	_ =	shalt  }
0x7f: {  	_ =	shalt  }
0x80: {  	_ =	shalt  }
0x81: {  	_ =	shalt  }
0x82: {  	_ =	shalt  }
0x83: {  	_ =	shalt  }
0x84: {  	_ =	shalt  }
0x85: {  	_ =	shalt  }
0x86: {  	_ =	shalt  }
0x87: {  	_ =	shalt  }
.Lfunc_end0:
.L_simem_size_0:
called_computation.3_lowered:
.L_overlay_start_0:
0x88: {  	s2 =	sld [smem:$0x3FD9]  }
0x89: {  	s3 =	sld [smem:$0x3FFE];
	_ =	sdelay $0x1  }
0x8a: {  	s1 =	srdreg.scid  }
0x8b: {  	s0 =	sand.u32 $0x1, s1  }
0x8c: {  	s14 =	sshll.u32 s0, $0xA;
	s2 =	sadd.s32 s3, s2  }
0x8d: {  	s2 =	sadd.s32 s2, s14  }
0x8e: {  	[smem:$0x3FB6] =	sst s2  }
0x8f: {  	_ = 	snop  }
0x90: {  	s2 =	sld [smem:$0x3FD0]  }
0x91: {  	s15 =	sld [smem:$0x3FC4]  }
0x92: {  	s4 =	sld [smem:$0x3FC3]  }
0x93: {  	s6 =	simm.s32 $0xC;
	s7 =	simm.s32 $0x10;
	s5 =	sld [smem:$0x3FC2]  }
0x94: {  	[smem:s7], [sflag:s6] =	dma.local [hbm:s2], $0x1  }
0x95: {  	_ =	swait.eq [sflag:s6], $0x1  }
0x96: {  	s16 =	sld [smem:$0x10]  }
0x97: {  	s17 =	sld [smem:$0x11]  }
0x98: {  	s8 =	sld [smem:$0x12];
	[sflag:s6] =	ssyncset.done $0x0  }
0x99: {  	s9 =	sld [smem:$0x13];
	[sflag:s6] =	ssyncadd.s32 $0xFFFFFFFF  }
0x9a: {  	s18 =	sld [smem:$0x14];
	(tm) =	ssettm $0x1  }
0x9b: {  	s10 =	sld [smem:$0x3FFB];
	_ =	sdelay $0x3  }
0x9c: {  	_ =	strace s10  }
0x9d: {  	s10 =	sld [smem:$0x3FFC];
	_ =	sdelay $0x3  }
0x9e: {  	_ =	strace s10  }
0x9f: {  	s10 =	sld [smem:$0x3FFD];
	_ =	sdelay $0x3  }
0xa0: {  	_ =	strace s10  }
0xa1: {  	_ =	strace $0x8FFFFFFF  }
0xa2: {  	s19 =	sld [smem:$0x3FDB];
	_ =	sdelay $0x1  }
0xa3: {  	s11 =	simm.s32 $_scs_section_size  }
0xa4: {  	s12 =	simm.s32 $_size__tile_overlayer_lowered;
	s13 =	simm.s32 $_tile_overlayer_lowered  }
0xa5: {  	s22 =	simm.s32 $0x1BFF;
	s21 =	sshll.u32 s13, $0x1;
	s10 =	sadd.s32 s11, s19  }
0xa6: {  	s20 =	sshll.u32 s12, $0x1;
	s14 =	simm.s32 $0x0;
	s12 =	sadd.s32 s21, s10  }
0xa7: {  	[timem:s14], [sflag:s22] =	dma.local [hbm:s12], s20  }
0xa8: {  	_ =	swait.ge [sflag:s22], s20  }
0xa9: {  	s11 =	ssub.s32 $0x0, s20;
	[sflag:s22] =	ssyncset.done $0x0  }
0xaa: {  	[sflag:s22] =	ssyncadd.s32 s11;
	_ =	sdelay $0x1  }
0xab: {  	s23 =	simm.s32 $0x1B8B  }
0xac: {  	_ =	swait.ge [sflag:s23], $0x1  }
0xad: {  	[sflag:s23] =	ssyncset.done $0x0  }
0xae: {  	s25 =	simm.s32 $0x1B8E;
	s24 =	sld [smem:$0x3FFE];
	[sflag:s23] =	ssyncadd.s32 $0xFFFFFFFF  }
0xaf: {  	s26 =	simm.s32 $execute0_lowered;
	[smem:$0x3FD2] =	sst s25  }
0xb0: {  	s12 =	sshll.u32 s26, $0x1;
	_ =	strace $0x80000046;
	[dreg:$0x1] =	wrdreg $0xFFFFFFFF  }
0xb1: {  	s28 =	simm.s32 $_size_execute0_lowered;
	s10 =	sadd.s32 s10, s12;
	[dreg:$0x0] =	wrdreg $0x0  }
0xb2: {  	s12 =	sshll.u32 s28, $0x1;
	[dreg:$0x2] =	wrdreg s10  }
0xb3: {  	[dreg:$0x3] =	wrdreg s12  }
0xb4: {  	[dreg:$0x4] =	wrdreg $0xC0  }
0xb5: {  	_ =	task [dreg:s14], $0x5FFFF  }
0xb6: {  	[dreg:$0x1] =	wrdreg $0xFFFFFFFF  }
0xb7: {  	[dreg:$0x0] =	wrdreg $0x60  }
0xb8: {  	[dreg:$0x2] =	wrdreg s18  }
0xb9: {  	[dreg:$0x3] =	wrdreg s9  }
0xba: {  	[dreg:$0x4] =	wrdreg s24  }
0xbb: {  	[dreg:$0x5] =	wrdreg s15  }
0xbc: {  	[dreg:$0x6] =	wrdreg s4  }
0xbd: {  	[dreg:$0x7] =	wrdreg s5  }
0xbe: {  	[dreg:$0x8] =	wrdreg s16  }
0xbf: {  	[dreg:$0x9] =	wrdreg s17  }
0xc0: {  	[dreg:$0xa] =	wrdreg s8  }
0xc1: {  	[dreg:$0xb] =	wrdreg $0x9  }
0xc2: {  	_ =	task.clear_ibuf [dreg:s14], $0xCFFFF;
	_ =	strace $0x90000046  }
0xc3: {  	s29 =	simm.s32 $0x9;
	_ =	strace $0x80000048  }
0xc4: {  	_ =	swait.ge [sflag:s29], $0x1  }
0xc5: {  	[sflag:s29] =	ssyncadd.s32 $0xFFFFFFFF  }
0xc6: {  	_ =	strace $0x90000048  }
0xc7: {  	_ =	sfence  }
0xc8: {  	s30 =	sld [smem:$0x0];
	_ =	sdelay $0x2  }
0xc9: {  	s31 =	sshll.u32 s1, $0xD;
	s1 =	sshrl.u32 s1, $0x2  }
0xca: {  	s3 =	sand.u32 $0x4000, s31;
	s1 =	sadd.s32 s1, s30  }
0xcb: {  	s0 =	sor.u32 s3, s0;
	s1 =	sshll.u32 s1, $0x11  }
0xcc: {  	s0 =	sor.u32 s1, s0  }
0xcd: {  	s0 =	sadd.s32 $0x8F2B, s0  }
0xce: {  	[sflag:s0] =	ssyncadd.remote.s32 $0x1  }
0xcf: {  	_ =	sfence.sel $0xFFFF  }
0xd0: {  	[dreg:$0x0] =	wrdreg $0xFFFFFFFF;
	(pc) =	sbr.abs _section_cstart, $3  }
0xd1: {  	[dreg:$0x1] =	wrdreg $0xFFFFFFFF  }
0xd2: {  	_ =	task.clear_ibuf [dreg:s14], $0x2FFFF;
	_ =	strace $0x9FFFFFFF  }
0xd3: {  	(tm) =	ssettm $0x7FFFFFFF  }
tec
execute0_lowered:
.L_overlay_start_1:
0x0: {  	(tag) =	ssettag $0x1  }
0x1: {  	s8 =	rddreg [dreg:$0x0]  }
0x2: {  	s10 =	rddreg [dreg:$0x1]  }
0x3: {  	s6 =	rddreg [dreg:$0x2]  }
0x4: {  	s1 =	rddreg [dreg:$0x3]  }
0x5: {  	s2 =	rddreg [dreg:$0x4]  }
0x6: {  	s3 =	rddreg [dreg:$0x5]  }
0x7: {  	s7 =	rddreg [dreg:$0x6]  }
0x8: {  	s9 =	rddreg [dreg:$0x7]  }
0x9: {  	s11 =	rddreg [dreg:$0x8]  }
0xa: {  	s0 =	rddreg [dreg:$0x9];
	s4 =	stileid.u32  }
0xb: {  	s12 =	srdreg.scid;
	s5 =	simm.s32 $0x0;
	s13 =	smul.u32 $0x3200, s4  }
0xc: {  	s17 =	simm.s32 $0x0;
	s12 =	sand.u32 $0x1, s12;
	s16 =	smul.u32 $0x32000, s4  }
0xd: {  	[smem:$0x7FF] =	sst s5;
	s14 =	smul.u32 $0x1900, s12;
	s15 =	ssub.s32 $0x2, s12  }
0xe: {  	_ =	strace $0x80000047;
	s12 =	smul.u32 $0x19000, s12;
	s30 =	sshrl.u32 s15, $0x1  }
0xf: {  	s7 =	sadd.s32 s16, s7;
	s9 =	sadd.s32 s16, s9;
	s11 =	sadd.s32 s16, s11  }
0x10: {  	s16 =	simm.s32 $0x1;
	s13 =	sadd.s32 s14, s13;
	s14 =	ssub.s32 s15, s30  }
0x11: {  	s7 =	sadd.s32 s12, s7;
	s9 =	sadd.s32 s12, s9;
	s13 =	sshrl.u32 s13, $0x3  }
0x12: {  	s11 =	sadd.s32 s12, s11;
	s15 =	simm.s32 $0x380;
	s31 =	sadd.s32 s13, s6  }
0x13: {  	s6 =	smax.u32 s14, $0x1;
	s8 =	sadd.s32 s13, s8;
	s10 =	sadd.s32 s13, s10  }
0x14: {  	s13 =	simm.s32 $0x2;
	s14 =	simm.s32 $0x320;
	s12 =	sadd.s32 $0x3600, s31  }
.LBB2_1:
0x15: {  	s18 =	sadd.s32 $0x0, s8  }
0x16: {  	[tilespmem:s5], [sflag:$0x2] =	stream.linear.gather [hbm4b:s18+s5], $0x320, $0x38;
	[tilespmem:$0x19380] =	vst v63  }
0x17: {  	_ =	swait.ge [sflag:s13], $0x320  }
0x18: {  	[sflag:s13] =	ssyncset.done $0x0  }
0x19: {  	[sflag:s13] =	ssyncadd.s32 $0xFFFFFCE0  }
0x1a: {  	[tilespmem:s15], [sflag:$0x1] =	stream.indirect.gather [hbm4b:s1+s14], $0x80, s5, s14, $0xb8;
	[tilespmem:$0x19380] =	vst v63  }
0x1b: {  	_ =	swait.ge [sflag:s16], $0x19000  }
0x1c: {  	[sflag:s16] =	ssyncset.done $0x0  }
0x1d: {  	[sflag:s16] =	ssyncadd.s32 $0xFFFE7000  }
0x1e: {  	[hbm4b:s7+s5] =	stream.linear.scatter [tilespmem:s15], [sflag:$0x2], $0x19000, $0x38;
	[tilespmem:$0x19380] =	vst v63  }
0x1f: {  	s21 =	sadd.s32 $0x64, s8;
	_ =	swait.ge [sflag:s13], $0x19000  }
0x20: {  	s20 =	simm.s32 $0xC8;
	s18 =	sadd.s32 $0x3200, s7;
	[sflag:s13] =	ssyncset.done $0x0  }
.LBB2_2:
0x21: {  	s22 =	sadd.s32 s20, s8;
	s19 =	simm.s32 $0x0;
	[sflag:s13] =	ssyncadd.s32 $0xFFFE7000  }
0x22: {  	[tilespmem:s19], [sflag:$0x2] =	stream.linear.gather [hbm4b:s21+s19], $0x320, $0x38;
	[tilespmem:$0x19380] =	vst v63  }
0x23: {  	p0 =	sne.s32 s20, $0x2BC;
	s20 =	sadd.s32 $0x64, s20;
	_ =	swait.ge [sflag:s13], $0x320  }
0x24: {  	s21 =	smov.u32 s22;
	[sflag:s13] =	ssyncset.done $0x0  }
0x25: {  	[sflag:s13] =	ssyncadd.s32 $0xFFFFFCE0  }
0x26: {  	[tilespmem:s15], [sflag:$0x1] =	stream.indirect.gather [hbm4b:s1+s14], $0x80, s19, s14, $0xb8;
	[tilespmem:$0x19380] =	vst v63  }
0x27: {  	_ =	swait.ge [sflag:s16], $0x19000  }
.Ltmp0:
0x28: {  	[sflag:s16] =	ssyncset.done $0x0;
	(pc) =	sbr.rel @p0 .LBB2_2-.Ltmp0, $4  }
0x29: {  	[sflag:s16] =	ssyncadd.s32 $0xFFFE7000  }
0x2a: {  	[hbm4b:s18+s19] =	stream.linear.scatter [tilespmem:s15], [sflag:$0x2], $0x19000, $0x38;
	[tilespmem:$0x19380] =	vst v63  }
0x2b: {  	_ =	swait.ge [sflag:s13], $0x19000  }
0x2c: {  	s18 =	sadd.s32 $0x3200, s18;
	[sflag:s13] =	ssyncset.done $0x0  }
0x2d: {  	[sflag:s13] =	ssyncadd.s32 $0xFFFE7000  }
0x2e: {  	[tilespmem:s19], [sflag:$0x2] =	stream.linear.gather [hbm4b:s21+s19], $0x320, $0x38;
	[tilespmem:$0x19380] =	vst v63  }
0x2f: {  	_ =	swait.ge [sflag:s13], $0x320  }
0x30: {  	[sflag:s13] =	ssyncset.done $0x0  }
0x31: {  	[sflag:s13] =	ssyncadd.s32 $0xFFFFFCE0  }
0x32: {  	[tilespmem:s15], [sflag:$0x1] =	stream.indirect.gather [hbm4b:s1+s14], $0x80, s19, s14, $0xb8;
	[tilespmem:$0x19380] =	vst v63  }
0x33: {  	_ =	swait.ge [sflag:s16], $0x19000  }
0x34: {  	p1 =	por $0x1, $0x1;
	[sflag:s16] =	ssyncset.done $0x0  }
.Ltmp1:
0x35: {  	[sflag:s16] =	ssyncadd.s32 $0xFFFE7000;
	(pc) =	sbr.rel @!p1 .LBB2_7-.Ltmp1, $4  }
0x36: {  	[hbm4b:s18+s19] =	stream.linear.scatter [tilespmem:s15], [sflag:$0x2], $0x19000, $0x38;
	[tilespmem:$0x19380] =	vst v63  }
0x37: {  	p0 =	por $0x0, $0x0;
	_ =	swait.ge [sflag:s13], $0x19000  }
0x38: {  	s20 =	smov.u32 s9;
	p2 =	por $0x0, $0x0;
	[sflag:s13] =	ssyncset.done $0x0  }
0x39: {  	s21 =	simm.s32 $0x0;
	s18 =	simm.s32 $0x64;
	[sflag:s13] =	ssyncadd.s32 $0xFFFE7000  }
0x3a: {  	s20 =	sadd.s32 $0x0, s10  }
0x3b: {  	[tilespmem:s19], [sflag:$0x2] =	stream.linear.gather [hbm4b:s20+s19], $0x320, $0x38;
	[tilespmem:$0x19380] =	vst v63  }
0x3c: {  	_ =	swait.ge [sflag:s13], $0x320  }
0x3d: {  	[sflag:s13] =	ssyncset.done $0x0  }
0x3e: {  	[sflag:s13] =	ssyncadd.s32 $0xFFFFFCE0  }
0x3f: {  	[tilespmem:s15], [sflag:$0x1] =	stream.indirect.gather [hbm4b:s2+s14], $0x80, s19, s14, $0xb8;
	[tilespmem:$0x19380] =	vst v63  }
0x40: {  	p3 =	por $0x1, $0x1;
	_ =	swait.ge [sflag:s16], $0x19000  }
.Ltmp2:
0x41: {  	[sflag:s16] =	ssyncset.done $0x0;
	(pc) =	sbr.rel @!p3 .LBB2_5-.Ltmp2, $4  }
0x42: {  	[sflag:s16] =	ssyncadd.s32 $0xFFFE7000  }
0x43: {  	[hbm4b:s9+s19] =	stream.linear.scatter [tilespmem:s15], [sflag:$0x2], $0x19000, $0x38;
	[tilespmem:$0x19380] =	vst v63  }
0x44: {  	s22 =	simm.s32 $0xC8;
	p2 =	por $0x1, $0x1;
	_ =	swait.ge [sflag:s13], $0x19000  }
0x45: {  	s21 =	simm.s32 $0x64;
	s20 =	sadd.s32 $0x3200, s9;
	[sflag:s13] =	ssyncset.done $0x0  }
.LBB2_6:
0x46: {  	s23 =	sadd.s32 s21, s10  }
0x47: {  	[sflag:s13] =	ssyncadd.s32 $0xFFFE7000;
	s21 =	smov.u32 s22;
	s24 =	sadd.s32 $0x64, s22  }
0x48: {  	[tilespmem:s19], [sflag:$0x2] =	stream.linear.gather [hbm4b:s23+s19], $0x320, $0x38;
	[tilespmem:$0x19380] =	vst v63  }
0x49: {  	p3 =	sne.s32 s22, $0x2BC;
	_ =	swait.ge [sflag:s13], $0x320  }
0x4a: {  	[sflag:s13] =	ssyncset.done $0x0  }
0x4b: {  	[sflag:s13] =	ssyncadd.s32 $0xFFFFFCE0  }
0x4c: {  	[tilespmem:s15], [sflag:$0x1] =	stream.indirect.gather [hbm4b:s2+s14], $0x80, s19, s14, $0xb8;
	[tilespmem:$0x19380] =	vst v63  }
0x4d: {  	_ =	swait.ge [sflag:s16], $0x19000  }
.Ltmp3:
0x4e: {  	[sflag:s16] =	ssyncset.done $0x0;
	(pc) =	sbr.rel @p3 .LBB2_6-.Ltmp3, $4  }
0x4f: {  	[sflag:s16] =	ssyncadd.s32 $0xFFFE7000  }
0x50: {  	[hbm4b:s20+s19] =	stream.linear.scatter [tilespmem:s15], [sflag:$0x2], $0x19000, $0x38;
	[tilespmem:$0x19380] =	vst v63  }
0x51: {  	_ =	swait.ge [sflag:s13], $0x19000  }
0x52: {  	s22 =	smov.u32 s24;
	s20 =	sadd.s32 $0x3200, s20;
	[sflag:s13] =	ssyncset.done $0x0  }
.LBB2_7:
0x53: {  	s21 =	sadd.s32 s21, s10;
	[sflag:s13] =	ssyncadd.s32 @p2 $0xFFFE7000  }
0x54: {  	[tilespmem:s19], [sflag:$0x2] =	stream.linear.gather [hbm4b:s21+s19], $0x320, $0x38;
	[tilespmem:$0x19380] =	vst v63  }
0x55: {  	_ =	swait.ge [sflag:s13], $0x320  }
0x56: {  	[sflag:s13] =	ssyncset.done $0x0  }
0x57: {  	[sflag:s13] =	ssyncadd.s32 $0xFFFFFCE0  }
0x58: {  	[tilespmem:s15], [sflag:$0x1] =	stream.indirect.gather [hbm4b:s2+s14], $0x80, s19, s14, $0xb8;
	[tilespmem:$0x19380] =	vst v63  }
0x59: {  	_ =	swait.ge [sflag:s16], $0x19000  }
0x5a: {  	[sflag:s16] =	ssyncset.done $0x0  }
.Ltmp4:
0x5b: {  	[sflag:s16] =	ssyncadd.s32 $0xFFFE7000;
	(pc) =	sbr.rel @!p1 .LBB2_12-.Ltmp4, $4  }
0x5c: {  	[hbm4b:s20+s19] =	stream.linear.scatter [tilespmem:s15], [sflag:$0x2], $0x19000, $0x38;
	[tilespmem:$0x19380] =	vst v63  }
0x5d: {  	_ =	swait.ge [sflag:s13], $0x19000  }
0x5e: {  	[sflag:s13] =	ssyncset.done $0x0  }
0x5f: {  	s20 =	smov.u32 s11;
	[sflag:s13] =	ssyncadd.s32 $0xFFFE7000  }
0x60: {  	s19 =	sadd.s32 $0x0, s12  }
0x61: {  	[tilespmem:s5], [sflag:$0x2] =	stream.linear.gather [hbm4b:s19+s5], $0x320, $0x38;
	[tilespmem:$0x19380] =	vst v63  }
0x62: {  	_ =	swait.ge [sflag:s13], $0x320  }
0x63: {  	[sflag:s13] =	ssyncset.done $0x0  }
0x64: {  	[sflag:s13] =	ssyncadd.s32 $0xFFFFFCE0  }
0x65: {  	[tilespmem:s15], [sflag:$0x1] =	stream.indirect.gather [hbm4b:s3+s14], $0x80, s5, s14, $0xb8;
	[tilespmem:$0x19380] =	vst v63  }
0x66: {  	p1 =	por $0x1, $0x1;
	_ =	swait.ge [sflag:s16], $0x19000  }
.Ltmp5:
0x67: {  	[sflag:s16] =	ssyncset.done $0x0;
	(pc) =	sbr.rel @!p1 .LBB2_9-.Ltmp5, $4  }
0x68: {  	[sflag:s16] =	ssyncadd.s32 $0xFFFE7000  }
0x69: {  	[hbm4b:s11+s5] =	stream.linear.scatter [tilespmem:s15], [sflag:$0x2], $0x19000, $0x38;
	[tilespmem:$0x19380] =	vst v63  }
0x6a: {  	s20 =	sadd.s32 $0x3200, s11;
	_ =	swait.ge [sflag:s13], $0x19000  }
0x6b: {  	p0 =	por $0x1, $0x1;
	s19 =	simm.s32 $0xC8;
	[sflag:s13] =	ssyncset.done $0x0  }
.LBB2_10:
0x6c: {  	s21 =	sadd.s32 s18, s12  }
0x6d: {  	[sflag:s13] =	ssyncadd.s32 $0xFFFE7000;
	s18 =	smov.u32 s19;
	s22 =	sadd.s32 $0x64, s19  }
0x6e: {  	[tilespmem:s5], [sflag:$0x2] =	stream.linear.gather [hbm4b:s21+s5], $0x320, $0x38;
	[tilespmem:$0x19380] =	vst v63  }
0x6f: {  	p1 =	sne.s32 s19, $0x2BC;
	_ =	swait.ge [sflag:s13], $0x320  }
0x70: {  	[sflag:s13] =	ssyncset.done $0x0  }
0x71: {  	[sflag:s13] =	ssyncadd.s32 $0xFFFFFCE0  }
0x72: {  	[tilespmem:s15], [sflag:$0x1] =	stream.indirect.gather [hbm4b:s3+s14], $0x80, s5, s14, $0xb8;
	[tilespmem:$0x19380] =	vst v63  }
0x73: {  	_ =	swait.ge [sflag:s16], $0x19000  }
.Ltmp6:
0x74: {  	[sflag:s16] =	ssyncset.done $0x0;
	(pc) =	sbr.rel @p1 .LBB2_10-.Ltmp6, $4  }
0x75: {  	[sflag:s16] =	ssyncadd.s32 $0xFFFE7000  }
0x76: {  	[hbm4b:s20+s5] =	stream.linear.scatter [tilespmem:s15], [sflag:$0x2], $0x19000, $0x38;
	[tilespmem:$0x19380] =	vst v63  }
0x77: {  	_ =	swait.ge [sflag:s13], $0x19000  }
0x78: {  	s19 =	smov.u32 s22;
	s20 =	sadd.s32 $0x3200, s20;
	[sflag:s13] =	ssyncset.done $0x0  }
0x79: {  	s19 =	smov.u32 s18  }
.LBB2_12:
0x7a: {  	s18 =	sadd.s32 s19, s12;
	[sflag:s13] =	ssyncadd.s32 @p0 $0xFFFE7000  }
0x7b: {  	[tilespmem:s5], [sflag:$0x2] =	stream.linear.gather [hbm4b:s18+s5], $0x320, $0x38;
	[tilespmem:$0x19380] =	vst v63  }
0x7c: {  	_ =	swait.ge [sflag:s13], $0x320  }
0x7d: {  	[sflag:s13] =	ssyncset.done $0x0  }
0x7e: {  	[sflag:s13] =	ssyncadd.s32 $0xFFFFFCE0  }
0x7f: {  	[tilespmem:s15], [sflag:$0x1] =	stream.indirect.gather [hbm4b:s3+s14], $0x80, s5, s14, $0xb8;
	[tilespmem:$0x19380] =	vst v63  }
0x80: {  	_ =	swait.ge [sflag:s16], $0x19000  }
0x81: {  	s17 =	sadd.s32 $0x1, s17;
	[sflag:s16] =	ssyncset.done $0x0  }
0x82: {  	p0 =	sne.s32 s17, s6;
	[sflag:s16] =	ssyncadd.s32 $0xFFFE7000  }
0x83: {  	[hbm4b:s20+s5] =	stream.linear.scatter [tilespmem:s15], [sflag:$0x2], $0x19000, $0x38;
	[tilespmem:$0x19380] =	vst v63  }
.Ltmp7:
0x84: {  	_ = 	snop;
	(pc) =	sbr.rel @p0 .LBB2_1-.Ltmp7, $4  }
.Ltmp8:
0x85: {  	_ = 	snop;
	(pc) =	sbr.rel @!p0 .LBB2_13-.Ltmp8, $4  }
0x86: {  	_ =	swait.ge [sflag:s13], $0x19000  }
0x87: {  	[sflag:s13] =	ssyncset.done $0x0  }
0x88: {  	[sflag:s13] =	ssyncadd.s32 $0xFFFE7000  }
0x89: {  	_ = 	snop  }
.LBB2_5:
.Ltmp9:
0x8a: {  	(pc) =	sbr.rel .LBB2_7-.Ltmp9, $2  }
0x8b: {  	_ =	sdelay $0x2  }
0x8c: {  	s21 =	simm.s32 $0x64  }
.LBB2_9:
.Ltmp10:
0x8d: {  	(pc) =	sbr.rel .LBB2_12-.Ltmp10, $2  }
0x8e: {  	_ =	sdelay $0x2  }
0x8f: {  	s19 =	simm.s32 $0x64  }
.LBB2_13:
0x90: {  	_ =	sfence.sel $0x180000  }
0x91: {  	[bflag:$0x0] =	sbarrier.arrive $0xFFFF  }
0x92: {  	p0 =	sne.s32 s4, $0x0;
	_ =	strace $0x90000047  }
0x93: {  	s0 =	sadd.s32 @!p0 $0x100000, s0;
	[bflag:$0x2] =	sbarrier.arrive $0xFFFF  }
0x94: {  	[sflag:s0] =	ssyncadd.tile.s32 @!p0 $0x1;
	_ =	shalt  }
.Lfunc_end2:
_tile_overlayer_lowered:
.L_overlay_start_2:
0x95: {  	(tag) =	ssettag $0x2  }
0x96: {  	s0 =	rddreg [dreg:$0x0];
	s2 =	stileid.u32  }
0x97: {  	s1 =	rddreg [dreg:$0x1];
	p0 =	sne.s32 s2, $0x0  }
0x98: {  	s3 =	rddreg [dreg:$0x2];
	[bflag:$0x3] =	sbarrier.arrive $0xFFFF;
	s2 =	simm.s32 @!p0 $0x1C02  }
0x99: {  	[timem:s3], [sflag:s2] =	dma.local @!p0 [hbm:s0], s1  }
0x9a: {  	s0 =	simm.s32 @!p0 $0x2  }
0x9b: {  	_ =	swait.ge @!p0 [sflag:s0], s1  }
0x9c: {  	s1 =	ssub.s32 @!p0 $0x0, s1;
	[sflag:s0] =	ssyncset.done @!p0 $0x0  }
0x9d: {  	[sflag:s0] =	ssyncadd.s32 @!p0 s1  }
0x9e: {  	[bflag:$0x3] =	sbarrier.arrive $0xFFFF  }
0x9f: {  	_ =	shalt  }

// kernel: sparse-core-data-format-call.1.cloned.1.call-start
scs
called_computation.1_lowered:
.L_overlay_start_0:
0x0: {  	s2 =	sld [smem:$0x3FD9]  }
0x1: {  	s3 =	sld [smem:$0x3FFE];
	_ =	sdelay $0x1  }
0x2: {  	s1 =	srdreg.scid  }
0x3: {  	s0 =	sand.u32 $0x1, s1  }
0x4: {  	s16 =	sshll.u32 s0, $0xA;
	s2 =	sadd.s32 s3, s2  }
0x5: {  	s2 =	sadd.s32 s2, s16  }
0x6: {  	[smem:$0x3FB6] =	sst s2  }
0x7: {  	_ = 	snop  }
0x8: {  	s2 =	sld [smem:$0x3FD0];
	_ =	sdelay $0x2  }
0x9: {  	s17 =	simm.s32 $0xC;
	s4 =	simm.s32 $0x10  }
0xa: {  	[smem:s4], [sflag:s17] =	dma.local [hbm:s2], $0x1  }
0xb: {  	_ =	swait.eq [sflag:s17], $0x1  }
0xc: {  	[sflag:s17] =	ssyncset.done $0x0  }
0xd: {  	[sflag:s17] =	ssyncadd.s32 $0xFFFFFFFF  }
0xe: {  	s18 =	sld [smem:$0x11];
	(tm) =	ssettm $0x1  }
0xf: {  	s19 =	sld [smem:$0x3FFB];
	_ =	sdelay $0x3  }
0x10: {  	_ =	strace s19  }
0x11: {  	s2 =	sld [smem:$0x3FFC];
	_ =	sdelay $0x3  }
0x12: {  	_ =	strace s2  }
0x13: {  	s2 =	sld [smem:$0x3FFD];
	_ =	sdelay $0x3  }
0x14: {  	_ =	strace s2  }
0x15: {  	_ =	strace $0x8FFFFFFF  }
0x16: {  	s20 =	sld [smem:$0x3FDB];
	_ =	sdelay $0x1  }
0x17: {  	s21 =	simm.s32 $_scs_section_size  }
0x18: {  	s5 =	simm.s32 $_size__tile_overlayer_lowered;
	s6 =	simm.s32 $_tile_overlayer_lowered  }
0x19: {  	s7 =	simm.s32 $0x1BFF;
	s22 =	sshll.u32 s6, $0x1;
	s4 =	sadd.s32 s21, s20  }
0x1a: {  	s23 =	simm.s32 $0x0;
	s5 =	sshll.u32 s5, $0x1;
	s6 =	sadd.s32 s22, s4  }
0x1b: {  	[timem:s23], [sflag:s7] =	dma.local [hbm:s6], s5  }
0x1c: {  	_ =	swait.ge [sflag:s7], s5  }
0x1d: {  	s5 =	ssub.s32 $0x0, s5;
	[sflag:s7] =	ssyncset.done $0x0  }
0x1e: {  	[sflag:s7] =	ssyncadd.s32 s5;
	_ =	sdelay $0x1  }
0x1f: {  	s24 =	simm.s32 $0x1B8B  }
0x20: {  	_ =	swait.ge [sflag:s24], $0x1  }
0x21: {  	[sflag:s24] =	ssyncset.done $0x0  }
0x22: {  	[sflag:s24] =	ssyncadd.s32 $0xFFFFFFFF  }
0x23: {  	s5 =	sld [smem:$0x0]  }
0x24: {  	s6 =	sand.u32 $0xFFFFFFFE, s1  }
0x25: {  	p0 =	sne.s32 s1, s6  }
0x26: {  	s6 =	sshll.u32 @p0 s6, $0xE  }
0x27: {  	s6 =	sadd.s32 @p0 $0x11B8D, s6;
	s7 =	sshll.u32 @p0 s5, $0x11  }
0x28: {  	s6 =	sor.u32 @p0 s7, s6  }
0x29: {  	[sflag:s6] =	ssyncadd.remote.s32 @p0 $0x1;
	_ =	sdelay $0x1  }
0x2a: {  	s6 =	simm.s32 @p0 $0x1B8D  }
0x2b: {  	_ =	swait.eq @p0 [sflag:s6], $0x1  }
0x2c: {  	[sflag:s6] =	ssyncadd.s32 @p0 $0xFFFFFFFF  }
0x2d: {  	s7 =	sshll.u32 @!p0 s1, $0xE  }
0x2e: {  	s7 =	sor.u32 @!p0 $0x4000, s7;
	s6 =	simm.s32 @!p0 $0x1B8D  }
0x2f: {  	s5 =	sshll.u32 @!p0 s5, $0x11;
	s7 =	sadd.s32 @!p0 $0x11B8D, s7;
	_ =	swait.eq @!p0 [sflag:s6], $0x1  }
0x30: {  	s5 =	sor.u32 @!p0 s5, s7;
	[sflag:s6] =	ssyncadd.s32 @!p0 $0xFFFFFFFF  }
0x31: {  	s26 =	simm.s32 $0x1B8E;
	s25 =	sld [smem:$0x3FFE];
	[sflag:s5] =	ssyncadd.remote.s32 @!p0 $0x1  }
0x32: {  	s27 =	simm.s32 $execute0_lowered;
	[smem:$0x3FD2] =	sst s26  }
0x33: {  	s6 =	sshll.u32 s27, $0x1;
	_ =	strace $0x8000004C;
	[dreg:$0x1] =	wrdreg $0xFFFFFFFF  }
0x34: {  	s28 =	simm.s32 $_size_execute0_lowered;
	s4 =	sadd.s32 s4, s6;
	[dreg:$0x0] =	wrdreg $0x0  }
0x35: {  	s6 =	sshll.u32 s28, $0x1;
	[dreg:$0x2] =	wrdreg s4  }
0x36: {  	[dreg:$0x3] =	wrdreg s6  }
0x37: {  	[dreg:$0x4] =	wrdreg $0xC0  }
0x38: {  	_ =	task [dreg:s23], $0x5FFFF  }
0x39: {  	[dreg:$0x1] =	wrdreg $0xFFFFFFFF  }
0x3a: {  	[dreg:$0x0] =	wrdreg $0x60  }
0x3b: {  	[dreg:$0x2] =	wrdreg s25  }
0x3c: {  	[dreg:$0x3] =	wrdreg s18  }
0x3d: {  	[dreg:$0x4] =	wrdreg $0xA  }
0x3e: {  	_ =	task.clear_ibuf [dreg:s23], $0x5FFFF;
	_ =	strace $0x9000004C  }
0x3f: {  	s29 =	simm.s32 $0xA;
	_ =	strace $0x8000004E  }
0x40: {  	_ =	swait.ge [sflag:s29], $0x1  }
0x41: {  	[sflag:s29] =	ssyncadd.s32 $0xFFFFFFFF  }
0x42: {  	_ =	strace $0x9000004E  }
0x43: {  	_ =	sfence  }
0x44: {  	s30 =	sld [smem:$0x0];
	_ =	sdelay $0x2  }
0x45: {  	s31 =	sshll.u32 s1, $0xD;
	s1 =	sshrl.u32 s1, $0x2  }
0x46: {  	s4 =	sand.u32 $0x4000, s31;
	s1 =	sadd.s32 s1, s30  }
0x47: {  	s0 =	sor.u32 s4, s0;
	s1 =	sshll.u32 s1, $0x11  }
0x48: {  	s0 =	sor.u32 s1, s0  }
0x49: {  	s0 =	sadd.s32 $0x8F2B, s0  }
0x4a: {  	[sflag:s0] =	ssyncadd.remote.s32 $0x1  }
0x4b: {  	_ =	sfence.sel $0xFFFF  }
0x4c: {  	[dreg:$0x0] =	wrdreg $0xFFFFFFFF;
	(pc) =	sbr.abs _section_cstart, $3  }
0x4d: {  	[dreg:$0x1] =	wrdreg $0xFFFFFFFF  }
0x4e: {  	_ =	task.clear_ibuf [dreg:s23], $0x2FFFF;
	_ =	strace $0x9FFFFFFF  }
0x4f: {  	(tm) =	ssettm $0x7FFFFFFF  }
tec
execute0_lowered:
.L_overlay_start_1:
0x0: {  	(tag) =	ssettag $0x1  }
0x1: {  	s0 =	srdreg.scid  }
0x2: {  	s1 =	sshll.u32 s0, $0x4  }
0x3: {  	s0 =	stileid.u32;
	s1 =	sand.u32 $0x10, s1  }
0x4: {  	s1 =	sor.u32 s0, s1  }
0x5: {  	s6 =	rddreg [dreg:$0x0];
	s4 =	simm.s32 $0x1;
	s2 =	sshll.u32 s1, $0x6  }
0x6: {  	s7 =	simm.s32 $0x2;
	s13 =	simm.s32 $0x0;
	s1 =	ssub.s32 $0x1000, s2  }
0x7: {  	s8 =	simm.s32 $0x2000;
	s9 =	simm.s32 $0x80000;
	s3 =	sand.u32 $0x7C0, s1  }
0x8: {  	s14 =	simm.s32 $0x0;
	s5 =	sshrl.u32 s1, $0xB;
	p0 =	sne.s32 s3, $0x0  }
.Ltmp0:
0x9: {  	s1 =	rddreg [dreg:$0x2];
	s4 =	simm.s32 @!p0 $0x0;
	(pc) =	sbr.rel .LBB1_1-.Ltmp0, $4  }
0xa: {  	s10 =	simm.s32 $0x0;
	s3 =	rddreg [dreg:$0x1];
	s5 =	sadd.s32 s4, s5  }
0xb: {  	_ =	strace $0x8000004D;
	s4 =	simm.s32 $0x1;
	s5 =	smul.u32 $0x19, s5  }
0xc: {  	s12 =	simm.s32 $0x0;
	s6 =	sadd.s32 $0x383600, s6;
	[sflag:s4] =	ssyncpa.u1 $0x0  }
0xd: {  	s11 =	smov.u32 s2;
	[sflag:s7] =	ssyncpa.u1 $0x0;
	s7 =	sadd.s32 $0x1, s5  }
.LBB1_7:
0xe: {  	s15 =	sadd.s32 $0x2, s10  }
0xf: {  	s13 =	sadd.s32 $0x800, s11;
	s17 =	smov.u32 s11;
	p1 =	sgt.s32 s15, $0x31  }
0x10: {  	s17 =	smov.u32 @p1 s13  }
0x11: {  	s15 =	simm.s32 @p1 $0x0;
	p1 =	sgt.s32 s17, $0xFFF  }
0x12: {  	s17 =	smov.u32 @p1 s2;
	p1 =	sne.s32 s12, s7  }
.Ltmp1:
0x13: {  	p0 =	slt.u32 s12, $0x2;
	(pc) =	sbr.rel @!p1 .LBB1_8-.Ltmp1, $4  }
0x14: {  	s16 =	simm.s32 @!p0 $0x2  }
0x15: {  	s14 =	smov.u32 s11;
	_ =	swait.ge @!p0 [sflag:s16], $0x4000  }
0x16: {  	s13 =	smov.u32 s10;
	[sflag:s16] =	ssyncset.done @!p0 $0x0;
	s10 =	smov.u32 s15  }
0x17: {  	s12 =	sadd.s32 $0x1, s12;
	[sflag:s16] =	ssyncadd.s32 @!p0 $0xFFFFC000;
	s11 =	smov.u32 s17  }
.LBB1_1:
0x18: {  	p0 =	sge.u32 s12, s5  }
0x19: {  	s15 =	sand.u32 @!p0 $0x1FFFFFF, s10  }
0x1a: {  	s16 =	smulhi.u32 @!p0 $0x4924925, s15;
	_ =	sdelay $0x1  }
0x1b: {  	s16 =	smul.u32 @!p0 $0x38, s16  }
0x1c: {  	s17 =	sxor.u32 @!p0 $0xFFFFFFFF, s12;
	s18 =	smul.u32 @!p0 $0x380, s11  }
0x1d: {  	s31 =	sadd.s32 $0xFFFFFFFF, s12;
	s17 =	sshll.u32 @!p0 s17, $0xE;
	s15 =	ssub.s32 @!p0 s15, s16  }
0x1e: {  	s16 =	sand.u32 @!p0 $0x4000, s17;
	s17 =	sadd.s32 @!p0 s6, s18;
	s15 =	sshll.u32 @!p0 s15, $0x4  }
0x1f: {  	s18 =	simm.s32 @!p0 $0x1C00;
	s15 =	sadd.s32 @!p0 s15, s17;
	s17 =	simm.s32 @!p0 $0x100  }
0x20: {  	[tilespmem:s16], [sflag:$0x1] =	stream.strided.gather @!p0 [hbm4b:s15+s17], $0x4000, s18, s17, $0x38;
	[tilespmem:$0x10000] =	vst v63  }
0x21: {  	p0 =	sge.u32 s31, s5  }
.Ltmp2:
0x22: {  	_ = 	snop;
	(pc) =	sbr.rel @p0 .LBB1_7-.Ltmp2, $1  }
0x23: {  	_ =	sdelay $0x3  }
0x24: {  	_ =	swait.ge [sflag:s4], $0x4000;
	s15 =	sshll.u32 s12, $0xE  }
0x25: {  	[sflag:s4] =	ssyncset.done $0x0;
	s16 =	sand.u32 $0x4000, s15  }
0x26: {  	s17 =	simm.s32 $0x0;
	[sflag:s4] =	ssyncadd.s32 $0xFFFFC000;
	s15 =	sor.u32 $0x8000, s16  }
.LBB1_3:
0x27: {  	s18 =	sshll.u32 s17, $0x8  }
0x28: {  	s18 =	sand.u32 $0x3FFFFF00, s18  }
0x29: {  	s19 =	sshll.u32 s17, $0x7;
	s18 =	sadd.s32 s18, s16  }
0x2a: {  	s19 =	sand.u32 $0x3FFFFF80, s19;
	v0 =	vmov s18  }
0x2b: {  	s19 =	sadd.s32 s19, s15  }
0x2c: {  	p0 =	por $0x1, $0x1;
	v1 =	vmov s19;
	s18 =	simm.s32 $0x0  }
.LBB1_4:
0x2d: {  	s19 =	sshll.u32 s18, $0x7  }
0x2e: {  	s19 =	sand.u32 $0x3FFFFF80, s19  }
0x2f: {  	v2 =	vld.idx.msk [tilespmem:v0+s19+$0x0 ss:$0x1], $0xffff  }
0x30: {  	v3 =	vld.idx.msk [tilespmem:v0+s19+$0x10 ss:$0x1], $0xffff  }
0x31: {  	v4 =	vld.idx.msk [tilespmem:v0+s19+$0x20 ss:$0x1], $0xffff  }
0x32: {  	s31 =	sshll.u32 s18, $0xD;
	v5 =	vld.idx.msk [tilespmem:v0+s19+$0x30 ss:$0x1], $0xffff  }
0x33: {  	s18 =	sand.u32 $0x3FFFE000, s31;
	v6 =	vld.idx.msk [tilespmem:v0+s19+$0x40 ss:$0x1], $0xffff  }
0x34: {  	v63 =	vld.idx.msk [tilespmem:v0+s19+$0x70 ss:$0x1], $0xffff;
	[tilespmem:v1+s18+$0x0 ss:$0x1] =	vst.idx.msk $0xffff, v2  }
0x35: {  	v2 =	vld.idx.msk [tilespmem:v0+s19+$0x50 ss:$0x1], $0xffff;
	[tilespmem:v1+s18+$0x10 ss:$0x1] =	vst.idx.msk $0xffff, v3  }
0x36: {  	p1 =	por p0, p0;
	v3 =	vld.idx.msk [tilespmem:v0+s19+$0x60 ss:$0x1], $0xffff;
	[tilespmem:v1+s18+$0x20 ss:$0x1] =	vst.idx.msk $0xffff, v4  }
.Ltmp3:
0x37: {  	[tilespmem:v1+s18+$0x30 ss:$0x1] =	vst.idx.msk $0xffff, v5;
	(pc) =	sbr.rel @p1 .LBB1_4-.Ltmp3, $4  }
0x38: {  	[tilespmem:v1+s18+$0x40 ss:$0x1] =	vst.idx.msk $0xffff, v6  }
0x39: {  	[tilespmem:v1+s18+$0x70 ss:$0x1] =	vst.idx.msk $0xffff, v63  }
0x3a: {  	[tilespmem:v1+s18+$0x50 ss:$0x1] =	vst.idx.msk $0xffff, v2  }
0x3b: {  	p0 =	por $0x0, $0x0;
	[tilespmem:v1+s18+$0x60 ss:$0x1] =	vst.idx.msk $0xffff, v3;
	s18 =	simm.s32 $0x1  }
0x3c: {  	s17 =	sadd.s32 $0x1, s17  }
0x3d: {  	p0 =	sne.s32 s17, $0x40  }
.Ltmp4:
0x3e: {  	_ = 	snop;
	(pc) =	sbr.rel @p0 .LBB1_3-.Ltmp4, $1  }
0x3f: {  	_ =	sdelay $0x3  }
.Ltmp5:
0x40: {  	s14 =	sshll.u32 s14, $0x4;
	(pc) =	sbr.rel .LBB1_7-.Ltmp5, $4  }
0x41: {  	s14 =	sand.u32 $0xFFF0, s14  }
0x42: {  	s13 =	sshll.u32 s13, $0x10;
	s14 =	sadd.s32 s3, s14  }
0x43: {  	s13 =	sadd.s32 s13, s14  }
0x44: {  	[hbm4b:s13+s8] =	stream.strided.scatter [tilespmem:s15], [sflag:$0x2], $0x4000, s9, s8, $0x38;
	[tilespmem:$0x10000] =	vst v63  }
.LBB1_8:
0x45: {  	_ =	sfence.sel $0x180000  }
0x46: {  	s2 =	simm.s32 $0x1;
	[bflag:$0x0] =	sbarrier.arrive $0xFFFF  }
0x47: {  	s31 =	simm.s32 $0x2;
	[sflag:s2] =	ssyncpa.u1 $0x1  }
0x48: {  	[sflag:s31] =	ssyncpa.u1 $0x1  }
0x49: {  	p0 =	sne.s32 s0, $0x0;
	_ =	strace $0x9000004D  }
0x4a: {  	s0 =	sadd.s32 @!p0 $0x100000, s1;
	[bflag:$0x2] =	sbarrier.arrive $0xFFFF  }
0x4b: {  	[sflag:s0] =	ssyncadd.tile.s32 @!p0 $0x1;
	_ =	shalt  }
.Lfunc_end1:
_tile_overlayer_lowered:
.L_overlay_start_2:
0x4c: {  	(tag) =	ssettag $0x2  }
0x4d: {  	s0 =	rddreg [dreg:$0x0];
	s2 =	stileid.u32  }
0x4e: {  	s1 =	rddreg [dreg:$0x1];
	p0 =	sne.s32 s2, $0x0  }
0x4f: {  	s3 =	rddreg [dreg:$0x2];
	[bflag:$0x3] =	sbarrier.arrive $0xFFFF;
	s2 =	simm.s32 @!p0 $0x1C01  }
0x50: {  	[timem:s3], [sflag:s2] =	dma.local @!p0 [hbm:s0], s1  }
0x51: {  	s0 =	simm.s32 @!p0 $0x1  }
0x52: {  	_ =	swait.ge @!p0 [sflag:s0], s1  }
0x53: {  	s1 =	ssub.s32 @!p0 $0x0, s1;
	[sflag:s0] =	ssyncset.done @!p0 $0x0  }
0x54: {  	[sflag:s0] =	ssyncadd.s32 @!p0 s1  }
0x55: {  	[bflag:$0x3] =	sbarrier.arrive $0xFFFF  }
0x56: {  	_ =	shalt  }

// kernel: sparse-core-data-format-call.2.cloned.1.call-start
scs
called_computation.2_lowered:
.L_overlay_start_0:
0x0: {  	s2 =	sld [smem:$0x3FD9]  }
0x1: {  	s3 =	sld [smem:$0x3FFE];
	_ =	sdelay $0x1  }
0x2: {  	s1 =	srdreg.scid  }
0x3: {  	s0 =	sand.u32 $0x1, s1  }
0x4: {  	s15 =	sshll.u32 s0, $0xA;
	s2 =	sadd.s32 s3, s2  }
0x5: {  	s2 =	sadd.s32 s2, s15  }
0x6: {  	[smem:$0x3FB6] =	sst s2  }
0x7: {  	_ = 	snop  }
0x8: {  	s2 =	sld [smem:$0x3FD0];
	_ =	sdelay $0x2  }
0x9: {  	s16 =	simm.s32 $0xC;
	s4 =	simm.s32 $0x10  }
0xa: {  	[smem:s4], [sflag:s16] =	dma.local [hbm:s2], $0x1  }
0xb: {  	_ =	swait.eq [sflag:s16], $0x1  }
0xc: {  	[sflag:s16] =	ssyncset.done $0x0  }
0xd: {  	[sflag:s16] =	ssyncadd.s32 $0xFFFFFFFF  }
0xe: {  	s17 =	sld [smem:$0x10];
	(tm) =	ssettm $0x1  }
0xf: {  	s18 =	sld [smem:$0x3FFB];
	_ =	sdelay $0x3  }
0x10: {  	_ =	strace s18  }
0x11: {  	s3 =	sld [smem:$0x3FFC];
	_ =	sdelay $0x3  }
0x12: {  	_ =	strace s3  }
0x13: {  	s3 =	sld [smem:$0x3FFD];
	_ =	sdelay $0x3  }
0x14: {  	_ =	strace s3  }
0x15: {  	_ =	strace $0x8FFFFFFF  }
0x16: {  	s19 =	sld [smem:$0x3FDB];
	_ =	sdelay $0x1  }
0x17: {  	s20 =	simm.s32 $_scs_section_size  }
0x18: {  	s5 =	simm.s32 $_size__tile_overlayer_lowered;
	s6 =	simm.s32 $_tile_overlayer_lowered  }
0x19: {  	s23 =	simm.s32 $0x1BFF;
	s22 =	sshll.u32 s6, $0x1;
	s3 =	sadd.s32 s20, s19  }
0x1a: {  	s7 =	simm.s32 $0x0;
	s21 =	sshll.u32 s5, $0x1;
	s5 =	sadd.s32 s22, s3  }
0x1b: {  	[timem:s7], [sflag:s23] =	dma.local [hbm:s5], s21  }
0x1c: {  	_ =	swait.ge [sflag:s23], s21  }
0x1d: {  	s4 =	ssub.s32 $0x0, s21;
	[sflag:s23] =	ssyncset.done $0x0  }
0x1e: {  	[sflag:s23] =	ssyncadd.s32 s4;
	_ =	sdelay $0x1  }
0x1f: {  	s24 =	simm.s32 $0x1B8B  }
0x20: {  	_ =	swait.ge [sflag:s24], $0x1  }
0x21: {  	[sflag:s24] =	ssyncset.done $0x0  }
0x22: {  	s26 =	simm.s32 $0x1B8E;
	s25 =	sld [smem:$0x3FFE];
	[sflag:s24] =	ssyncadd.s32 $0xFFFFFFFF  }
0x23: {  	s27 =	simm.s32 $execute0_lowered;
	[smem:$0x3FD2] =	sst s26  }
0x24: {  	s5 =	sshll.u32 s27, $0x1;
	_ =	strace $0x80000049;
	[dreg:$0x1] =	wrdreg $0xFFFFFFFF  }
0x25: {  	s28 =	simm.s32 $_size_execute0_lowered;
	s3 =	sadd.s32 s3, s5;
	[dreg:$0x0] =	wrdreg $0x0  }
0x26: {  	s5 =	sshll.u32 s28, $0x1;
	[dreg:$0x2] =	wrdreg s3  }
0x27: {  	[dreg:$0x3] =	wrdreg s5  }
0x28: {  	[dreg:$0x4] =	wrdreg $0xC0  }
0x29: {  	_ =	task [dreg:s7], $0x5FFFF  }
0x2a: {  	[dreg:$0x1] =	wrdreg $0xFFFFFFFF  }
0x2b: {  	[dreg:$0x0] =	wrdreg $0x60  }
0x2c: {  	[dreg:$0x2] =	wrdreg s25  }
0x2d: {  	[dreg:$0x3] =	wrdreg s17  }
0x2e: {  	[dreg:$0x4] =	wrdreg $0xB  }
0x2f: {  	_ =	task.clear_ibuf [dreg:s7], $0x5FFFF;
	_ =	strace $0x90000049  }
0x30: {  	s29 =	simm.s32 $0xB;
	_ =	strace $0x8000004B  }
0x31: {  	_ =	swait.ge [sflag:s29], $0x1  }
0x32: {  	[sflag:s29] =	ssyncadd.s32 $0xFFFFFFFF  }
0x33: {  	_ =	strace $0x9000004B  }
0x34: {  	_ =	sfence  }
0x35: {  	s30 =	sld [smem:$0x0];
	_ =	sdelay $0x2  }
0x36: {  	s31 =	sshll.u32 s1, $0xD;
	s1 =	sshrl.u32 s1, $0x2  }
0x37: {  	s3 =	sand.u32 $0x4000, s31;
	s1 =	sadd.s32 s1, s30  }
0x38: {  	s0 =	sor.u32 s3, s0;
	s1 =	sshll.u32 s1, $0x11  }
0x39: {  	s0 =	sor.u32 s1, s0  }
0x3a: {  	s0 =	sadd.s32 $0x8F2B, s0  }
0x3b: {  	[sflag:s0] =	ssyncadd.remote.s32 $0x1  }
0x3c: {  	_ =	sfence.sel $0xFFFF  }
0x3d: {  	[dreg:$0x0] =	wrdreg $0xFFFFFFFF;
	(pc) =	sbr.abs _section_cstart, $3  }
0x3e: {  	[dreg:$0x1] =	wrdreg $0xFFFFFFFF  }
0x3f: {  	_ =	task.clear_ibuf [dreg:s7], $0x2FFFF;
	_ =	strace $0x9FFFFFFF  }
0x40: {  	(tm) =	ssettm $0x7FFFFFFF  }
0x41: {  	_ =	shalt  }
tec
execute0_lowered:
.L_overlay_start_1:
0x0: {  	(tag) =	ssettag $0x1  }
0x1: {  	s0 =	srdreg.scid  }
0x2: {  	s1 =	sshll.u32 s0, $0x4  }
0x3: {  	s0 =	stileid.u32;
	s1 =	sand.u32 $0x10, s1  }
0x4: {  	s1 =	sor.u32 s0, s1  }
0x5: {  	s6 =	rddreg [dreg:$0x0];
	s4 =	simm.s32 $0x1;
	s2 =	sshll.u32 s1, $0x6  }
0x6: {  	s7 =	simm.s32 $0x2;
	s13 =	simm.s32 $0x0;
	s1 =	ssub.s32 $0x1000, s2  }
0x7: {  	s8 =	simm.s32 $0x2000;
	s9 =	simm.s32 $0x80000;
	s3 =	sand.u32 $0x7C0, s1  }
0x8: {  	s14 =	simm.s32 $0x0;
	s5 =	sshrl.u32 s1, $0xB;
	p0 =	sne.s32 s3, $0x0  }
.Ltmp0:
0x9: {  	s1 =	rddreg [dreg:$0x2];
	s4 =	simm.s32 @!p0 $0x0;
	(pc) =	sbr.rel .LBB1_1-.Ltmp0, $4  }
0xa: {  	s10 =	simm.s32 $0x0;
	s3 =	rddreg [dreg:$0x1];
	s5 =	sadd.s32 s4, s5  }
0xb: {  	_ =	strace $0x8000004A;
	s4 =	simm.s32 $0x1;
	s5 =	smul.u32 $0x19, s5  }
0xc: {  	s12 =	simm.s32 $0x0;
	s6 =	sadd.s32 $0x3600, s6;
	[sflag:s4] =	ssyncpa.u1 $0x0  }
0xd: {  	s11 =	smov.u32 s2;
	[sflag:s7] =	ssyncpa.u1 $0x0;
	s7 =	sadd.s32 $0x1, s5  }
.LBB1_7:
0xe: {  	s15 =	sadd.s32 $0x2, s10  }
0xf: {  	s13 =	sadd.s32 $0x800, s11;
	s17 =	smov.u32 s11;
	p1 =	sgt.s32 s15, $0x31  }
0x10: {  	s17 =	smov.u32 @p1 s13  }
0x11: {  	s15 =	simm.s32 @p1 $0x0;
	p1 =	sgt.s32 s17, $0xFFF  }
0x12: {  	s17 =	smov.u32 @p1 s2;
	p1 =	sne.s32 s12, s7  }
.Ltmp1:
0x13: {  	p0 =	slt.u32 s12, $0x2;
	(pc) =	sbr.rel @!p1 .LBB1_8-.Ltmp1, $4  }
0x14: {  	s16 =	simm.s32 @!p0 $0x2  }
0x15: {  	s14 =	smov.u32 s11;
	_ =	swait.ge @!p0 [sflag:s16], $0x4000  }
0x16: {  	s13 =	smov.u32 s10;
	[sflag:s16] =	ssyncset.done @!p0 $0x0;
	s10 =	smov.u32 s15  }
0x17: {  	s12 =	sadd.s32 $0x1, s12;
	[sflag:s16] =	ssyncadd.s32 @!p0 $0xFFFFC000;
	s11 =	smov.u32 s17  }
.LBB1_1:
0x18: {  	p0 =	sge.u32 s12, s5  }
0x19: {  	s15 =	sand.u32 @!p0 $0x1FFFFFF, s10  }
0x1a: {  	s16 =	smulhi.u32 @!p0 $0x4924925, s15;
	_ =	sdelay $0x1  }
0x1b: {  	s16 =	smul.u32 @!p0 $0x38, s16  }
0x1c: {  	s17 =	sxor.u32 @!p0 $0xFFFFFFFF, s12;
	s18 =	smul.u32 @!p0 $0x380, s11  }
0x1d: {  	s31 =	sadd.s32 $0xFFFFFFFF, s12;
	s17 =	sshll.u32 @!p0 s17, $0xE;
	s15 =	ssub.s32 @!p0 s15, s16  }
0x1e: {  	s16 =	sand.u32 @!p0 $0x4000, s17;
	s17 =	sadd.s32 @!p0 s6, s18;
	s15 =	sshll.u32 @!p0 s15, $0x4  }
0x1f: {  	s18 =	simm.s32 @!p0 $0x1C00;
	s15 =	sadd.s32 @!p0 s15, s17;
	s17 =	simm.s32 @!p0 $0x100  }
0x20: {  	[tilespmem:s16], [sflag:$0x1] =	stream.strided.gather @!p0 [hbm4b:s15+s17], $0x4000, s18, s17, $0x38;
	[tilespmem:$0x10000] =	vst v63  }
0x21: {  	p0 =	sge.u32 s31, s5  }
.Ltmp2:
0x22: {  	_ = 	snop;
	(pc) =	sbr.rel @p0 .LBB1_7-.Ltmp2, $1  }
0x23: {  	_ =	sdelay $0x3  }
0x24: {  	_ =	swait.ge [sflag:s4], $0x4000;
	s15 =	sshll.u32 s12, $0xE  }
0x25: {  	[sflag:s4] =	ssyncset.done $0x0;
	s16 =	sand.u32 $0x4000, s15  }
0x26: {  	s17 =	simm.s32 $0x0;
	[sflag:s4] =	ssyncadd.s32 $0xFFFFC000;
	s15 =	sor.u32 $0x8000, s16  }
.LBB1_3:
0x27: {  	s18 =	sshll.u32 s17, $0x8  }
0x28: {  	s18 =	sand.u32 $0x3FFFFF00, s18  }
0x29: {  	s19 =	sshll.u32 s17, $0x7;
	s18 =	sadd.s32 s18, s16  }
0x2a: {  	s19 =	sand.u32 $0x3FFFFF80, s19;
	v0 =	vmov s18  }
0x2b: {  	s19 =	sadd.s32 s19, s15  }
0x2c: {  	p0 =	por $0x1, $0x1;
	v1 =	vmov s19;
	s18 =	simm.s32 $0x0  }
.LBB1_4:
0x2d: {  	s19 =	sshll.u32 s18, $0x7  }
0x2e: {  	s19 =	sand.u32 $0x3FFFFF80, s19  }
0x2f: {  	v2 =	vld.idx.msk [tilespmem:v0+s19+$0x0 ss:$0x1], $0xffff  }
0x30: {  	v3 =	vld.idx.msk [tilespmem:v0+s19+$0x10 ss:$0x1], $0xffff  }
0x31: {  	v4 =	vld.idx.msk [tilespmem:v0+s19+$0x20 ss:$0x1], $0xffff  }
0x32: {  	s31 =	sshll.u32 s18, $0xD;
	v5 =	vld.idx.msk [tilespmem:v0+s19+$0x30 ss:$0x1], $0xffff  }
0x33: {  	s18 =	sand.u32 $0x3FFFE000, s31;
	v6 =	vld.idx.msk [tilespmem:v0+s19+$0x40 ss:$0x1], $0xffff  }
0x34: {  	v63 =	vld.idx.msk [tilespmem:v0+s19+$0x70 ss:$0x1], $0xffff;
	[tilespmem:v1+s18+$0x0 ss:$0x1] =	vst.idx.msk $0xffff, v2  }
0x35: {  	v2 =	vld.idx.msk [tilespmem:v0+s19+$0x50 ss:$0x1], $0xffff;
	[tilespmem:v1+s18+$0x10 ss:$0x1] =	vst.idx.msk $0xffff, v3  }
0x36: {  	p1 =	por p0, p0;
	v3 =	vld.idx.msk [tilespmem:v0+s19+$0x60 ss:$0x1], $0xffff;
	[tilespmem:v1+s18+$0x20 ss:$0x1] =	vst.idx.msk $0xffff, v4  }
.Ltmp3:
0x37: {  	[tilespmem:v1+s18+$0x30 ss:$0x1] =	vst.idx.msk $0xffff, v5;
	(pc) =	sbr.rel @p1 .LBB1_4-.Ltmp3, $4  }
0x38: {  	[tilespmem:v1+s18+$0x40 ss:$0x1] =	vst.idx.msk $0xffff, v6  }
0x39: {  	[tilespmem:v1+s18+$0x70 ss:$0x1] =	vst.idx.msk $0xffff, v63  }
0x3a: {  	[tilespmem:v1+s18+$0x50 ss:$0x1] =	vst.idx.msk $0xffff, v2  }
0x3b: {  	p0 =	por $0x0, $0x0;
	[tilespmem:v1+s18+$0x60 ss:$0x1] =	vst.idx.msk $0xffff, v3;
	s18 =	simm.s32 $0x1  }
0x3c: {  	s17 =	sadd.s32 $0x1, s17  }
0x3d: {  	p0 =	sne.s32 s17, $0x40  }
.Ltmp4:
0x3e: {  	_ = 	snop;
	(pc) =	sbr.rel @p0 .LBB1_3-.Ltmp4, $1  }
0x3f: {  	_ =	sdelay $0x3  }
.Ltmp5:
0x40: {  	s14 =	sshll.u32 s14, $0x4;
	(pc) =	sbr.rel .LBB1_7-.Ltmp5, $4  }
0x41: {  	s14 =	sand.u32 $0xFFF0, s14  }
0x42: {  	s13 =	sshll.u32 s13, $0x10;
	s14 =	sadd.s32 s3, s14  }
0x43: {  	s13 =	sadd.s32 s13, s14  }
0x44: {  	[hbm4b:s13+s8] =	stream.strided.scatter [tilespmem:s15], [sflag:$0x2], $0x4000, s9, s8, $0x38;
	[tilespmem:$0x10000] =	vst v63  }
.LBB1_8:
0x45: {  	_ =	sfence.sel $0x180000  }
0x46: {  	s2 =	simm.s32 $0x1;
	[bflag:$0x0] =	sbarrier.arrive $0xFFFF  }
0x47: {  	s31 =	simm.s32 $0x2;
	[sflag:s2] =	ssyncpa.u1 $0x1  }
0x48: {  	[sflag:s31] =	ssyncpa.u1 $0x1  }
0x49: {  	p0 =	sne.s32 s0, $0x0;
	_ =	strace $0x9000004A  }
0x4a: {  	s0 =	sadd.s32 @!p0 $0x100000, s1;
	[bflag:$0x2] =	sbarrier.arrive $0xFFFF  }
0x4b: {  	[sflag:s0] =	ssyncadd.tile.s32 @!p0 $0x1;
	_ =	shalt  }
.Lfunc_end1:
_tile_overlayer_lowered:
.L_overlay_start_2:
0x4c: {  	(tag) =	ssettag $0x2  }
0x4d: {  	s0 =	rddreg [dreg:$0x0];
	s2 =	stileid.u32  }
0x4e: {  	s1 =	rddreg [dreg:$0x1];
	p0 =	sne.s32 s2, $0x0  }
0x4f: {  	s3 =	rddreg [dreg:$0x2];
	[bflag:$0x3] =	sbarrier.arrive $0xFFFF;
	s2 =	simm.s32 @!p0 $0x1C01  }
0x50: {  	[timem:s3], [sflag:s2] =	dma.local @!p0 [hbm:s0], s1  }
0x51: {  	s0 =	simm.s32 @!p0 $0x1  }
0x52: {  	_ =	swait.ge @!p0 [sflag:s0], s1  }
0x53: {  	s1 =	ssub.s32 @!p0 $0x0, s1;
	[sflag:s0] =	ssyncset.done @!p0 $0x0  }
0x54: {  	[sflag:s0] =	ssyncadd.s32 @!p0 s1  }
0x55: {  	[bflag:$0x3] =	sbarrier.arrive $0xFFFF  }
0x56: {  	_ =	shalt  }

// kernel: sparse-core-data-format-call.cloned.1.call-start
scs
called_computation_lowered:
.L_overlay_start_0:
0x0: {  	s2 =	sld [smem:$0x3FD9]  }
0x1: {  	s3 =	sld [smem:$0x3FFE];
	_ =	sdelay $0x1  }
0x2: {  	s1 =	srdreg.scid  }
0x3: {  	s0 =	sand.u32 $0x1, s1  }
0x4: {  	s16 =	sshll.u32 s0, $0xA;
	s2 =	sadd.s32 s3, s2  }
0x5: {  	s2 =	sadd.s32 s2, s16  }
0x6: {  	[smem:$0x3FB6] =	sst s2  }
0x7: {  	_ = 	snop  }
0x8: {  	s2 =	sld [smem:$0x3FD0];
	_ =	sdelay $0x2  }
0x9: {  	s17 =	simm.s32 $0xC;
	s4 =	simm.s32 $0x10  }
0xa: {  	[smem:s4], [sflag:s17] =	dma.local [hbm:s2], $0x1  }
0xb: {  	_ =	swait.eq [sflag:s17], $0x1  }
0xc: {  	[sflag:s17] =	ssyncset.done $0x0  }
0xd: {  	[sflag:s17] =	ssyncadd.s32 $0xFFFFFFFF  }
0xe: {  	s18 =	sld [smem:$0x12];
	(tm) =	ssettm $0x1  }
0xf: {  	s19 =	sld [smem:$0x3FFB];
	_ =	sdelay $0x3  }
0x10: {  	_ =	strace s19  }
0x11: {  	s2 =	sld [smem:$0x3FFC];
	_ =	sdelay $0x3  }
0x12: {  	_ =	strace s2  }
0x13: {  	s2 =	sld [smem:$0x3FFD];
	_ =	sdelay $0x3  }
0x14: {  	_ =	strace s2  }
0x15: {  	_ =	strace $0x8FFFFFFF  }
0x16: {  	s20 =	sld [smem:$0x3FDB];
	_ =	sdelay $0x1  }
0x17: {  	s21 =	simm.s32 $_scs_section_size  }
0x18: {  	s5 =	simm.s32 $_size__tile_overlayer_lowered;
	s6 =	simm.s32 $_tile_overlayer_lowered  }
0x19: {  	s7 =	simm.s32 $0x1BFF;
	s22 =	sshll.u32 s6, $0x1;
	s4 =	sadd.s32 s21, s20  }
0x1a: {  	s23 =	simm.s32 $0x0;
	s5 =	sshll.u32 s5, $0x1;
	s6 =	sadd.s32 s22, s4  }
0x1b: {  	[timem:s23], [sflag:s7] =	dma.local [hbm:s6], s5  }
0x1c: {  	_ =	swait.ge [sflag:s7], s5  }
0x1d: {  	s5 =	ssub.s32 $0x0, s5;
	[sflag:s7] =	ssyncset.done $0x0  }
0x1e: {  	[sflag:s7] =	ssyncadd.s32 s5;
	_ =	sdelay $0x1  }
0x1f: {  	s24 =	simm.s32 $0x1B8B  }
0x20: {  	_ =	swait.ge [sflag:s24], $0x1  }
0x21: {  	[sflag:s24] =	ssyncset.done $0x0  }
0x22: {  	[sflag:s24] =	ssyncadd.s32 $0xFFFFFFFF  }
0x23: {  	s5 =	sld [smem:$0x0]  }
0x24: {  	s6 =	sand.u32 $0xFFFFFFFE, s1  }
0x25: {  	p0 =	sne.s32 s1, s6  }
0x26: {  	s6 =	sshll.u32 @p0 s6, $0xE  }
0x27: {  	s6 =	sadd.s32 @p0 $0x11B8D, s6;
	s7 =	sshll.u32 @p0 s5, $0x11  }
0x28: {  	s6 =	sor.u32 @p0 s7, s6  }
0x29: {  	[sflag:s6] =	ssyncadd.remote.s32 @p0 $0x1;
	_ =	sdelay $0x1  }
0x2a: {  	s6 =	simm.s32 @p0 $0x1B8D  }
0x2b: {  	_ =	swait.eq @p0 [sflag:s6], $0x1  }
0x2c: {  	[sflag:s6] =	ssyncadd.s32 @p0 $0xFFFFFFFF  }
0x2d: {  	s7 =	sshll.u32 @!p0 s1, $0xE  }
0x2e: {  	s7 =	sor.u32 @!p0 $0x4000, s7;
	s6 =	simm.s32 @!p0 $0x1B8D  }
0x2f: {  	s5 =	sshll.u32 @!p0 s5, $0x11;
	s7 =	sadd.s32 @!p0 $0x11B8D, s7;
	_ =	swait.eq @!p0 [sflag:s6], $0x1  }
0x30: {  	s5 =	sor.u32 @!p0 s5, s7;
	[sflag:s6] =	ssyncadd.s32 @!p0 $0xFFFFFFFF  }
0x31: {  	s26 =	simm.s32 $0x1B8E;
	s25 =	sld [smem:$0x3FFE];
	[sflag:s5] =	ssyncadd.remote.s32 @!p0 $0x1  }
0x32: {  	s27 =	simm.s32 $execute0_lowered;
	[smem:$0x3FD2] =	sst s26  }
0x33: {  	s6 =	sshll.u32 s27, $0x1;
	_ =	strace $0x8000004F;
	[dreg:$0x1] =	wrdreg $0xFFFFFFFF  }
0x34: {  	s28 =	simm.s32 $_size_execute0_lowered;
	s4 =	sadd.s32 s4, s6;
	[dreg:$0x0] =	wrdreg $0x0  }
0x35: {  	s6 =	sshll.u32 s28, $0x1;
	[dreg:$0x2] =	wrdreg s4  }
0x36: {  	[dreg:$0x3] =	wrdreg s6  }
0x37: {  	[dreg:$0x4] =	wrdreg $0xC0  }
0x38: {  	_ =	task [dreg:s23], $0x5FFFF  }
0x39: {  	[dreg:$0x1] =	wrdreg $0xFFFFFFFF  }
0x3a: {  	[dreg:$0x0] =	wrdreg $0x60  }
0x3b: {  	[dreg:$0x2] =	wrdreg s25  }
0x3c: {  	[dreg:$0x3] =	wrdreg s18  }
0x3d: {  	[dreg:$0x4] =	wrdreg $0x9  }
0x3e: {  	_ =	task.clear_ibuf [dreg:s23], $0x5FFFF;
	_ =	strace $0x9000004F  }
0x3f: {  	s29 =	simm.s32 $0x9;
	_ =	strace $0x80000051  }
0x40: {  	_ =	swait.ge [sflag:s29], $0x1  }
0x41: {  	[sflag:s29] =	ssyncadd.s32 $0xFFFFFFFF  }
0x42: {  	_ =	strace $0x90000051  }
0x43: {  	_ =	sfence  }
0x44: {  	s30 =	sld [smem:$0x0];
	_ =	sdelay $0x2  }
0x45: {  	s31 =	sshll.u32 s1, $0xD;
	s1 =	sshrl.u32 s1, $0x2  }
0x46: {  	s4 =	sand.u32 $0x4000, s31;
	s1 =	sadd.s32 s1, s30  }
0x47: {  	s0 =	sor.u32 s4, s0;
	s1 =	sshll.u32 s1, $0x11  }
0x48: {  	s0 =	sor.u32 s1, s0  }
0x49: {  	s0 =	sadd.s32 $0x8F2B, s0  }
0x4a: {  	[sflag:s0] =	ssyncadd.remote.s32 $0x1  }
0x4b: {  	_ =	sfence.sel $0xFFFF  }
0x4c: {  	[dreg:$0x0] =	wrdreg $0xFFFFFFFF;
	(pc) =	sbr.abs _section_cstart, $3  }
0x4d: {  	[dreg:$0x1] =	wrdreg $0xFFFFFFFF  }
0x4e: {  	_ =	task.clear_ibuf [dreg:s23], $0x2FFFF;
	_ =	strace $0x9FFFFFFF  }
0x4f: {  	(tm) =	ssettm $0x7FFFFFFF  }
tec
execute0_lowered:
.L_overlay_start_1:
0x0: {  	(tag) =	ssettag $0x1  }
0x1: {  	s0 =	srdreg.scid  }
0x2: {  	s1 =	sshll.u32 s0, $0x4  }
0x3: {  	s0 =	stileid.u32;
	s1 =	sand.u32 $0x10, s1  }
0x4: {  	s1 =	sor.u32 s0, s1  }
0x5: {  	s6 =	rddreg [dreg:$0x0];
	s4 =	simm.s32 $0x1;
	s2 =	sshll.u32 s1, $0x6  }
0x6: {  	s7 =	simm.s32 $0x2;
	s13 =	simm.s32 $0x0;
	s1 =	ssub.s32 $0x1000, s2  }
0x7: {  	s8 =	simm.s32 $0x2000;
	s9 =	simm.s32 $0x80000;
	s3 =	sand.u32 $0x7C0, s1  }
0x8: {  	s14 =	simm.s32 $0x0;
	s5 =	sshrl.u32 s1, $0xB;
	p0 =	sne.s32 s3, $0x0  }
.Ltmp0:
0x9: {  	s1 =	rddreg [dreg:$0x2];
	s4 =	simm.s32 @!p0 $0x0;
	(pc) =	sbr.rel .LBB1_1-.Ltmp0, $4  }
0xa: {  	s10 =	simm.s32 $0x0;
	s3 =	rddreg [dreg:$0x1];
	s5 =	sadd.s32 s4, s5  }
0xb: {  	_ =	strace $0x80000050;
	s4 =	simm.s32 $0x1;
	s5 =	smul.u32 $0x19, s5  }
0xc: {  	s12 =	simm.s32 $0x0;
	s6 =	sadd.s32 $0x703600, s6;
	[sflag:s4] =	ssyncpa.u1 $0x0  }
0xd: {  	s11 =	smov.u32 s2;
	[sflag:s7] =	ssyncpa.u1 $0x0;
	s7 =	sadd.s32 $0x1, s5  }
.LBB1_7:
0xe: {  	s15 =	sadd.s32 $0x2, s10  }
0xf: {  	s13 =	sadd.s32 $0x800, s11;
	s17 =	smov.u32 s11;
	p1 =	sgt.s32 s15, $0x31  }
0x10: {  	s17 =	smov.u32 @p1 s13  }
0x11: {  	s15 =	simm.s32 @p1 $0x0;
	p1 =	sgt.s32 s17, $0xFFF  }
0x12: {  	s17 =	smov.u32 @p1 s2;
	p1 =	sne.s32 s12, s7  }
.Ltmp1:
0x13: {  	p0 =	slt.u32 s12, $0x2;
	(pc) =	sbr.rel @!p1 .LBB1_8-.Ltmp1, $4  }
0x14: {  	s16 =	simm.s32 @!p0 $0x2  }
0x15: {  	s14 =	smov.u32 s11;
	_ =	swait.ge @!p0 [sflag:s16], $0x4000  }
0x16: {  	s13 =	smov.u32 s10;
	[sflag:s16] =	ssyncset.done @!p0 $0x0;
	s10 =	smov.u32 s15  }
0x17: {  	s12 =	sadd.s32 $0x1, s12;
	[sflag:s16] =	ssyncadd.s32 @!p0 $0xFFFFC000;
	s11 =	smov.u32 s17  }
.LBB1_1:
0x18: {  	p0 =	sge.u32 s12, s5  }
0x19: {  	s15 =	sand.u32 @!p0 $0x1FFFFFF, s10  }
0x1a: {  	s16 =	smulhi.u32 @!p0 $0x4924925, s15;
	_ =	sdelay $0x1  }
0x1b: {  	s16 =	smul.u32 @!p0 $0x38, s16  }
0x1c: {  	s17 =	sxor.u32 @!p0 $0xFFFFFFFF, s12;
	s18 =	smul.u32 @!p0 $0x380, s11  }
0x1d: {  	s31 =	sadd.s32 $0xFFFFFFFF, s12;
	s17 =	sshll.u32 @!p0 s17, $0xE;
	s15 =	ssub.s32 @!p0 s15, s16  }
0x1e: {  	s16 =	sand.u32 @!p0 $0x4000, s17;
	s17 =	sadd.s32 @!p0 s6, s18;
	s15 =	sshll.u32 @!p0 s15, $0x4  }
0x1f: {  	s18 =	simm.s32 @!p0 $0x1C00;
	s15 =	sadd.s32 @!p0 s15, s17;
	s17 =	simm.s32 @!p0 $0x100  }
0x20: {  	[tilespmem:s16], [sflag:$0x1] =	stream.strided.gather @!p0 [hbm4b:s15+s17], $0x4000, s18, s17, $0x38;
	[tilespmem:$0x10000] =	vst v63  }
0x21: {  	p0 =	sge.u32 s31, s5  }
.Ltmp2:
0x22: {  	_ = 	snop;
	(pc) =	sbr.rel @p0 .LBB1_7-.Ltmp2, $1  }
0x23: {  	_ =	sdelay $0x3  }
0x24: {  	_ =	swait.ge [sflag:s4], $0x4000;
	s15 =	sshll.u32 s12, $0xE  }
0x25: {  	[sflag:s4] =	ssyncset.done $0x0;
	s16 =	sand.u32 $0x4000, s15  }
0x26: {  	s17 =	simm.s32 $0x0;
	[sflag:s4] =	ssyncadd.s32 $0xFFFFC000;
	s15 =	sor.u32 $0x8000, s16  }
.LBB1_3:
0x27: {  	s18 =	sshll.u32 s17, $0x8  }
0x28: {  	s18 =	sand.u32 $0x3FFFFF00, s18  }
0x29: {  	s19 =	sshll.u32 s17, $0x7;
	s18 =	sadd.s32 s18, s16  }
0x2a: {  	s19 =	sand.u32 $0x3FFFFF80, s19;
	v0 =	vmov s18  }
0x2b: {  	s19 =	sadd.s32 s19, s15  }
0x2c: {  	p0 =	por $0x1, $0x1;
	v1 =	vmov s19;
	s18 =	simm.s32 $0x0  }
.LBB1_4:
0x2d: {  	s19 =	sshll.u32 s18, $0x7  }
0x2e: {  	s19 =	sand.u32 $0x3FFFFF80, s19  }
0x2f: {  	v2 =	vld.idx.msk [tilespmem:v0+s19+$0x0 ss:$0x1], $0xffff  }
0x30: {  	v3 =	vld.idx.msk [tilespmem:v0+s19+$0x10 ss:$0x1], $0xffff  }
0x31: {  	v4 =	vld.idx.msk [tilespmem:v0+s19+$0x20 ss:$0x1], $0xffff  }
0x32: {  	s31 =	sshll.u32 s18, $0xD;
	v5 =	vld.idx.msk [tilespmem:v0+s19+$0x30 ss:$0x1], $0xffff  }
0x33: {  	s18 =	sand.u32 $0x3FFFE000, s31;
	v6 =	vld.idx.msk [tilespmem:v0+s19+$0x40 ss:$0x1], $0xffff  }
0x34: {  	v63 =	vld.idx.msk [tilespmem:v0+s19+$0x70 ss:$0x1], $0xffff;
	[tilespmem:v1+s18+$0x0 ss:$0x1] =	vst.idx.msk $0xffff, v2  }
0x35: {  	v2 =	vld.idx.msk [tilespmem:v0+s19+$0x50 ss:$0x1], $0xffff;
	[tilespmem:v1+s18+$0x10 ss:$0x1] =	vst.idx.msk $0xffff, v3  }
0x36: {  	p1 =	por p0, p0;
	v3 =	vld.idx.msk [tilespmem:v0+s19+$0x60 ss:$0x1], $0xffff;
	[tilespmem:v1+s18+$0x20 ss:$0x1] =	vst.idx.msk $0xffff, v4  }
.Ltmp3:
0x37: {  	[tilespmem:v1+s18+$0x30 ss:$0x1] =	vst.idx.msk $0xffff, v5;
	(pc) =	sbr.rel @p1 .LBB1_4-.Ltmp3, $4  }
0x38: {  	[tilespmem:v1+s18+$0x40 ss:$0x1] =	vst.idx.msk $0xffff, v6  }
0x39: {  	[tilespmem:v1+s18+$0x70 ss:$0x1] =	vst.idx.msk $0xffff, v63  }
0x3a: {  	[tilespmem:v1+s18+$0x50 ss:$0x1] =	vst.idx.msk $0xffff, v2  }
0x3b: {  	p0 =	por $0x0, $0x0;
	[tilespmem:v1+s18+$0x60 ss:$0x1] =	vst.idx.msk $0xffff, v3;
	s18 =	simm.s32 $0x1  }
0x3c: {  	s17 =	sadd.s32 $0x1, s17  }
0x3d: {  	p0 =	sne.s32 s17, $0x40  }
.Ltmp4:
0x3e: {  	_ = 	snop;
	(pc) =	sbr.rel @p0 .LBB1_3-.Ltmp4, $1  }
0x3f: {  	_ =	sdelay $0x3  }
.Ltmp5:
0x40: {  	s14 =	sshll.u32 s14, $0x4;
	(pc) =	sbr.rel .LBB1_7-.Ltmp5, $4  }
0x41: {  	s14 =	sand.u32 $0xFFF0, s14  }
0x42: {  	s13 =	sshll.u32 s13, $0x10;
	s14 =	sadd.s32 s3, s14  }
0x43: {  	s13 =	sadd.s32 s13, s14  }
0x44: {  	[hbm4b:s13+s8] =	stream.strided.scatter [tilespmem:s15], [sflag:$0x2], $0x4000, s9, s8, $0x38;
	[tilespmem:$0x10000] =	vst v63  }
.LBB1_8:
0x45: {  	_ =	sfence.sel $0x180000  }
0x46: {  	s2 =	simm.s32 $0x1;
	[bflag:$0x0] =	sbarrier.arrive $0xFFFF  }
0x47: {  	s31 =	simm.s32 $0x2;
	[sflag:s2] =	ssyncpa.u1 $0x1  }
0x48: {  	[sflag:s31] =	ssyncpa.u1 $0x1  }
0x49: {  	p0 =	sne.s32 s0, $0x0;
	_ =	strace $0x90000050  }
0x4a: {  	s0 =	sadd.s32 @!p0 $0x100000, s1;
	[bflag:$0x2] =	sbarrier.arrive $0xFFFF  }
0x4b: {  	[sflag:s0] =	ssyncadd.tile.s32 @!p0 $0x1;
	_ =	shalt  }
.Lfunc_end1:
_tile_overlayer_lowered:
.L_overlay_start_2:
0x4c: {  	(tag) =	ssettag $0x2  }
0x4d: {  	s0 =	rddreg [dreg:$0x0];
	s2 =	stileid.u32  }
0x4e: {  	s1 =	rddreg [dreg:$0x1];
	p0 =	sne.s32 s2, $0x0  }
0x4f: {  	s3 =	rddreg [dreg:$0x2];
	[bflag:$0x3] =	sbarrier.arrive $0xFFFF;
	s2 =	simm.s32 @!p0 $0x1C01  }
0x50: {  	[timem:s3], [sflag:s2] =	dma.local @!p0 [hbm:s0], s1  }
0x51: {  	s0 =	simm.s32 @!p0 $0x1  }
0x52: {  	_ =	swait.ge @!p0 [sflag:s0], s1  }
0x53: {  	s1 =	ssub.s32 @!p0 $0x0, s1;
	[sflag:s0] =	ssyncset.done @!p0 $0x0  }
0x54: {  	[sflag:s0] =	ssyncadd.s32 @!p0 s1  }
0x55: {  	[bflag:$0x3] =	sbarrier.arrive $0xFFFF  }
0x56: {  	_ =	shalt  }

</sc_bundles>
